<compile_context>
chip_gen: v7x
topology: tpu7x:2x2x1
jax: 0.10.2.dev20260603
libtpu: 0.0.44.dev20260713+nightly
codegen_flags: <defaults>
</compile_context>

<pallas_src>
import functools

import jax
import jax.numpy as jnp
from jax import lax
from jax.experimental import pallas as pl
from jax.experimental.pallas import tpu as pltpu
from jax.experimental.pallas import tpu_sc as plsc

N_NODES = 10000
N_EDGES = 320000
NPAD = 10240
NT = 16
EPT = 19968
TAIL = N_EDGES - NT * EPT
EBUF = EPT + TAIL
STRIPE = NPAD // NT
L = 16


def _rsqrt16(xv):
    xi = plsc.bitcast(xv, jnp.int32)
    yi = jnp.int32(0x5F3759DF) - (xi >> 1)
    y = plsc.bitcast(yi, jnp.float32)
    y = y * (1.5 - 0.5 * xv * y * y)
    y = y * (1.5 - 0.5 * xv * y * y)
    y = y * (1.5 - 0.5 * xv * y * y)
    return y


def _sc_body(ei_hbm, c_hbm, ei_v, hist_v, isd_v, acc_v, cbuf_v,
             block_v, sem_e, stage_sh, isd_sh):
    w = lax.axis_index("s")
    base = w * EPT
    col = w * STRIPE

    cp_e = pltpu.async_copy(
        ei_hbm.at[:, pl.ds(pl.multiple_of(base, 128), EPT)],
        ei_v.at[:, pl.ds(0, EPT)], sem_e)

    zeros16 = jnp.zeros((L,), jnp.float32)
    ones16 = jnp.ones((L,), jnp.float32)

    @plsc.parallel_loop(0, NPAD, step=L, unroll=4)
    def _zero_a(i):
        hist_v[pl.ds(i, L)] = zeros16

    cp_e.wait()

    @pl.when(w == NT - 1)
    def _tail_copy():
        pltpu.sync_copy(ei_hbm.at[:, pl.ds(NT * EPT, TAIL)],
                        ei_v.at[:, pl.ds(EPT, TAIL)])

    n_e = jnp.where(w == NT - 1, EBUF, EPT)

    @plsc.parallel_loop(0, n_e, step=L, unroll=4)
    def _phase_a(i):
        d16 = ei_v[1, pl.ds(i, L)]
        plsc.addupdate_scatter(hist_v, [d16], ones16)

    pltpu.sync_copy(hist_v, stage_sh.at[w])
    plsc.subcore_barrier()

    pltpu.sync_copy(stage_sh.at[:, pl.ds(col, STRIPE)], block_v)

    @plsc.parallel_loop(0, STRIPE, step=L, unroll=4)
    def _make_isd(j):
        s = pl.ds(j, L)
        acc = block_v[0, s]
        for r in range(1, NT):
            acc = acc + block_v[r, s]
        acc_v[s] = _rsqrt16(acc + 1.0)

    pltpu.sync_copy(acc_v, isd_sh.at[pl.ds(col, STRIPE)])
    plsc.subcore_barrier()
    pltpu.sync_copy(isd_sh, isd_v)

    @plsc.parallel_loop(0, NPAD, step=L, unroll=4)
    def _zero_b(i):
        hist_v[pl.ds(i, L)] = zeros16

    @plsc.parallel_loop(0, n_e, step=L, unroll=4)
    def _phase_b(i):
        sl = pl.ds(i, L)
        d16 = ei_v[1, sl]
        s16 = ei_v[0, sl]
        vals = plsc.load_gather(isd_v, [d16])
        plsc.addupdate_scatter(hist_v, [s16], vals)

    pltpu.sync_copy(hist_v, stage_sh.at[w])
    plsc.subcore_barrier()

    pltpu.sync_copy(stage_sh.at[:, pl.ds(col, STRIPE)], block_v)

    @plsc.parallel_loop(0, STRIPE, step=L, unroll=4)
    def _make_c(j):
        s = pl.ds(j, L)
        acc = block_v[0, s]
        for r in range(1, NT):
            acc = acc + block_v[r, s]
        isd16 = acc_v[s]
        cbuf_v[s] = isd16 * (acc + isd16)

    pltpu.sync_copy(cbuf_v, c_hbm.at[0, pl.ds(col, STRIPE)])


_sc_kernel = functools.partial(
    pl.kernel,
    out_type=jax.ShapeDtypeStruct((1, NPAD), jnp.float32),
    mesh=plsc.VectorSubcoreMesh(
        core_axis_name="c", subcore_axis_name="s", num_cores=1),
    compiler_params=pltpu.CompilerParams(needs_layout_passes=False),
    scratch_types=[
        pltpu.VMEM((2, EBUF), jnp.int32),
        pltpu.VMEM((NPAD,), jnp.float32),
        pltpu.VMEM((NPAD,), jnp.float32),
        pltpu.VMEM((STRIPE,), jnp.float32),
        pltpu.VMEM((STRIPE,), jnp.float32),
        pltpu.VMEM((NT, STRIPE), jnp.float32),
        pltpu.SemaphoreType.DMA,
        pltpu.VMEM_SHARED((NT, NPAD), jnp.float32),
        pltpu.VMEM_SHARED((NPAD,), jnp.float32),
    ],
)(_sc_body)


def _dense_body(c_ref, x_ref, w_ref, b_ref, wc_ref, bc_ref, o_ref):
    c = c_ref[...][:, :N_NODES]
    v = jnp.dot(c, x_ref[...], preferred_element_type=jnp.float32)
    sumc = jnp.sum(c)
    pooled = (jnp.dot(v, w_ref[...], preferred_element_type=jnp.float32)
              + sumc * b_ref[...]) * (1.0 / N_NODES)
    o_ref[...] = (jnp.dot(pooled, wc_ref[...],
                          preferred_element_type=jnp.float32) + bc_ref[...])


def kernel(x, edge_index, W, b, Wc, bc):
    ei = edge_index.astype(jnp.int32)
    c_pad = _sc_kernel(ei)
    logits = pl.pallas_call(
        _dense_body,
        out_shape=jax.ShapeDtypeStruct((1, 10), jnp.float32),
    )(c_pad, x, W, b.reshape(1, -1), Wc, bc.reshape(1, -1))
    return logits.reshape(10)

# --- scband reference (transcript-rebuilt; emitter-appended) ---
"""Pipeline reference for scband-multilingual-hypergraph-transformer-14637248544871 (READ-ONLY COPY).

The authoritative reference and input builder live on the scoring server;
editing this copy changes nothing except your own understanding.
"""

import jax, jax.numpy as jnp
import numpy as np

N_NODES = 10000
N_EDGES = 320000
D_IN = 128
D_HID = 256
N_CLASSES = 10


def setup_inputs(seed: int = 0) -> dict:
    key = jax.random.key(seed)
    k_x, k_ei, k_w, k_b, k_wc, k_bc = jax.random.split(key, 6)
    x = jax.random.normal(k_x, (N_NODES, D_IN), dtype=jnp.float32)
    edge_index = jax.random.randint(k_ei, (2, N_EDGES), 0, N_NODES, dtype=jnp.int64)
    W = jax.random.normal(k_w, (D_IN, D_HID), dtype=jnp.float32) * (1.0 / np.sqrt(D_IN))
    b = jnp.zeros((D_HID,), dtype=jnp.float32)
    Wc = jax.random.normal(k_wc, (D_HID, N_CLASSES), dtype=jnp.float32) * (1.0 / np.sqrt(D_HID))
    bc = jnp.zeros((N_CLASSES,), dtype=jnp.float32)
    return {"x": x, "edge_index": edge_index, "W": W, "b": b, "Wc": Wc, "bc": bc}


def reference(x, edge_index, W, b, Wc, bc):
    # GCNLayer: linear transform, symmetric-normalized neighbor aggregation (with self-loops)
    src = edge_index[0]
    dst = edge_index[1]
    h = x @ W + b  # [N, D_HID]
    # degree with self-loop
    deg = jnp.zeros((N_NODES,), dtype=jnp.float32).at[dst].add(1.0) + 1.0
    inv_sqrt_deg = 1.0 / jnp.sqrt(deg)
    norm = inv_sqrt_deg[src] * inv_sqrt_deg[dst]  # [E]
    msgs = h[src] * norm[:, None]  # gather + scale
    agg = jax.ops.segment_sum(msgs, dst, num_segments=N_NODES)  # scatter-add
    out = agg + h * (inv_sqrt_deg * inv_sqrt_deg)[:, None]  # self-loop contribution
    # global mean pooling over nodes, then classifier
    pooled = out.mean(axis=0)  # [D_HID]
    logits = pooled @ Wc + bc  # [N_CLASSES]
    return logits

if __name__ == "__main__":
    import jax
    _d = setup_inputs()
    print(jax.jit(kernel)(*tuple(_d.values())))

</pallas_src>

<mosaic_0001>
#map = affine_map<(d0, d1) -> (0, 0)>
module attributes {stable_mosaic.version = 14 : i64} {
  func.func @_sc_body(%arg0: i32, %arg1: i32, %arg2: memref<2x320000xi32, #tpu.memory_space<hbm>>, %arg3: memref<1x10240xf32, #tpu.memory_space<hbm>>, %arg4: memref<2x20480xi32, #tpu.memory_space<vmem>>, %arg5: memref<10240xf32, #tpu.memory_space<vmem>>, %arg6: memref<10240xf32, #tpu.memory_space<vmem>>, %arg7: memref<640xf32, #tpu.memory_space<vmem>>, %arg8: memref<640xf32, #tpu.memory_space<vmem>>, %arg9: memref<16x640xf32, #tpu.memory_space<vmem>>, %arg10: memref<!tpu.dma_semaphore, #tpu.memory_space<semaphore_mem>>, %arg11: memref<16x10240xf32, #tpu.memory_space<vmem_shared>>, %arg12: memref<10240xf32, #tpu.memory_space<vmem_shared>>) attributes {dimension_semantics = [#tpu.dimension_semantics<core_parallel>, #tpu.dimension_semantics<subcore_parallel>], iteration_bounds = array<i64: 1, 16>, scalar_prefetch = 0 : i64, scratch_operands = 9 : i64, tpu.core_type = #tpu.core_type<sc_vector_subcore>, window_params = [{transform_indices = #map}, {transform_indices = #map}]} {
    %mul3A = arith.constant 19968 : i32
    %mul3A_0 = arith.muli %arg1, %mul3A : i32
    %mul3A_1 = arith.constant 640 : i32
    %mul3A_2 = arith.muli %arg1, %mul3A_1 : i32
    %multiple_of3A = tpu.assume_multiple %mul3A_0, 128 : i32
    %dma_start3A = arith.constant 0 : i32
    %dma_start3A_3 = arith.constant 0 : i32
    %dma_start3A_4 = tpu.memref_slice %arg4[%dma_start3A, %dma_start3A_3] : memref<2x20480xi32, #tpu.memory_space<vmem>> -> memref<2x19968xi32, #tpu.memory_space<vmem>>
    %dma_start3A_5 = arith.constant 0 : i32
    %dma_start3A_6 = tpu.memref_slice %arg2[%dma_start3A_5, %multiple_of3A] : memref<2x320000xi32, #tpu.memory_space<hbm>> -> memref<2x19968xi32, #tpu.memory_space<hbm>>
    %dma_start3A_7 = arith.constant 0 : i32
    %dma_start3A_8 = arith.constant 0 : i32
    %dma_start3A_9 = tpu.memref_slice %arg4[%dma_start3A_7, %dma_start3A_8] : memref<2x20480xi32, #tpu.memory_space<vmem>> -> memref<2x19968xi32, #tpu.memory_space<vmem>>
    %dma_start3A_10 = arith.constant 0 : i32
    %dma_start3A_11 = tpu.memref_slice %arg2[%dma_start3A_10, %multiple_of3A] : memref<2x320000xi32, #tpu.memory_space<hbm>> -> memref<2x19968xi32, #tpu.memory_space<hbm>>
    tpu.enqueue_dma source(%dma_start3A_11 : memref<2x19968xi32, #tpu.memory_space<hbm>>) target(%dma_start3A_9 : memref<2x19968xi32, #tpu.memory_space<vmem>>) target_semaphore(%arg10 : memref<!tpu.dma_semaphore, #tpu.memory_space<semaphore_mem>>)
    %broadcast_in_dim3A = arith.constant 0.000000e+00 : f32
    %broadcast_in_dim3A_12 = vector.broadcast %broadcast_in_dim3A : f32 to vector<16xf32>
    %broadcast_in_dim3A_13 = arith.constant 1.000000e+00 : f32
    %broadcast_in_dim3A_14 = vector.broadcast %broadcast_in_dim3A_13 : f32 to vector<16xf32>
    %parallel_loop3A = arith.constant 0 : i32
    %parallel_loop3A_15 = arith.constant 10240 : i32
    %parallel_loop3A_16 = arith.constant 16 : i32
    scf.for %parallel_loop3A_46 = %parallel_loop3A to %parallel_loop3A_15 step %parallel_loop3A_16  : i32 {
      %parallel_loop3A_47 = arith.index_cast %parallel_loop3A_46 : i32 to index
      %parallel_loop3A_48 = tpu.vector_load %arg5[%parallel_loop3A_47] {strides = array<i32>} : memref<10240xf32, #tpu.memory_space<vmem>>, vector<16xf32>,
      tpu.vector_store %arg5[%parallel_loop3A_47], %broadcast_in_dim3A_12 {strides = array<i32>} : memref<10240xf32, #tpu.memory_space<vmem>>, vector<16xf32>,
    } {sc.loop_unroll_factor = 4 : i64, sc.parallel_access}
    %dma_wait3A = arith.constant 0 : i32
    %dma_wait3A_17 = arith.constant 0 : i32
    %dma_wait3A_18 = tpu.memref_slice %arg4[%dma_wait3A, %dma_wait3A_17] : memref<2x20480xi32, #tpu.memory_space<vmem>> -> memref<2x19968xi32, #tpu.memory_space<vmem>>
    %dma_wait3A_19 = arith.constant 0 : i32
    %dma_wait3A_20 = tpu.memref_slice %arg2[%dma_wait3A_19, %multiple_of3A] : memref<2x320000xi32, #tpu.memory_space<hbm>> -> memref<2x19968xi32, #tpu.memory_space<hbm>>
    %dma_wait3A_21 = arith.constant 0 : i32
    %dma_wait3A_22 = arith.constant 0 : i32
    %dma_wait3A_23 = tpu.memref_slice %arg4[%dma_wait3A_21, %dma_wait3A_22] : memref<2x20480xi32, #tpu.memory_space<vmem>> -> memref<2x19968xi32, #tpu.memory_space<vmem>>
    %dma_wait3A_24 = arith.constant 0 : i32
    %dma_wait3A_25 = tpu.memref_slice %arg2[%dma_wait3A_24, %multiple_of3A] : memref<2x320000xi32, #tpu.memory_space<hbm>> -> memref<2x19968xi32, #tpu.memory_space<hbm>>
    tpu.wait_dma2 semaphore(%arg10 : memref<!tpu.dma_semaphore, #tpu.memory_space<semaphore_mem>>) src(%dma_wait3A_25 : memref<2x19968xi32, #tpu.memory_space<hbm>>) dst(%dma_wait3A_23 : memref<2x19968xi32, #tpu.memory_space<vmem>>)
    %eq3A = arith.constant 15 : i32
    %eq3A_26 = arith.cmpi eq, %arg1, %eq3A : i32
    %convert_element_type3A = arith.extui %eq3A_26 : i1 to i32
    %cond3A = arith.constant 0 : i32
    %cond3A_27 = arith.cmpi ne, %convert_element_type3A, %cond3A : i32
    scf.if %cond3A_27 {
      "tpu.region"() ({
        %run_scoped3A_46 = tpu.sem_alloc : memref<!tpu.dma_semaphore, #tpu.memory_space<semaphore_mem>>
        %dma_start3A_47 = arith.constant 0 : i32
        %dma_start3A_48 = arith.constant 19968 : i32
        %dma_start3A_49 = tpu.memref_slice %arg4[%dma_start3A_47, %dma_start3A_48] : memref<2x20480xi32, #tpu.memory_space<vmem>> -> memref<2x512xi32, #tpu.memory_space<vmem>>
        %dma_start3A_50 = arith.constant 0 : i32
        %dma_start3A_51 = arith.constant 319488 : i32
        %dma_start3A_52 = tpu.memref_slice %arg2[%dma_start3A_50, %dma_start3A_51] : memref<2x320000xi32, #tpu.memory_space<hbm>> -> memref<2x512xi32, #tpu.memory_space<hbm>>
        %dma_start3A_53 = arith.constant 0 : i32
        %dma_start3A_54 = arith.constant 19968 : i32
        %dma_start3A_55 = tpu.memref_slice %arg4[%dma_start3A_53, %dma_start3A_54] : memref<2x20480xi32, #tpu.memory_space<vmem>> -> memref<2x512xi32, #tpu.memory_space<vmem>>
        %dma_start3A_56 = arith.constant 0 : i32
        %dma_start3A_57 = arith.constant 319488 : i32
        %dma_start3A_58 = tpu.memref_slice %arg2[%dma_start3A_56, %dma_start3A_57] : memref<2x320000xi32, #tpu.memory_space<hbm>> -> memref<2x512xi32, #tpu.memory_space<hbm>>
        tpu.enqueue_dma source(%dma_start3A_58 : memref<2x512xi32, #tpu.memory_space<hbm>>) target(%dma_start3A_55 : memref<2x512xi32, #tpu.memory_space<vmem>>) target_semaphore(%run_scoped3A_46 : memref<!tpu.dma_semaphore, #tpu.memory_space<semaphore_mem>>)
        %dma_wait3A_59 = arith.constant 0 : i32
        %dma_wait3A_60 = arith.constant 19968 : i32
        %dma_wait3A_61 = tpu.memref_slice %arg4[%dma_wait3A_59, %dma_wait3A_60] : memref<2x20480xi32, #tpu.memory_space<vmem>> -> memref<2x512xi32, #tpu.memory_space<vmem>>
        %dma_wait3A_62 = arith.constant 0 : i32
        %dma_wait3A_63 = arith.constant 319488 : i32
        %dma_wait3A_64 = tpu.memref_slice %arg2[%dma_wait3A_62, %dma_wait3A_63] : memref<2x320000xi32, #tpu.memory_space<hbm>> -> memref<2x512xi32, #tpu.memory_space<hbm>>
        %dma_wait3A_65 = arith.constant 0 : i32
        %dma_wait3A_66 = arith.constant 19968 : i32
        %dma_wait3A_67 = tpu.memref_slice %arg4[%dma_wait3A_65, %dma_wait3A_66] : memref<2x20480xi32, #tpu.memory_space<vmem>> -> memref<2x512xi32, #tpu.memory_space<vmem>>
        %dma_wait3A_68 = arith.constant 0 : i32
        %dma_wait3A_69 = arith.constant 319488 : i32
        %dma_wait3A_70 = tpu.memref_slice %arg2[%dma_wait3A_68, %dma_wait3A_69] : memref<2x320000xi32, #tpu.memory_space<hbm>> -> memref<2x512xi32, #tpu.memory_space<hbm>>
        tpu.wait_dma2 semaphore(%run_scoped3A_46 : memref<!tpu.dma_semaphore, #tpu.memory_space<semaphore_mem>>) src(%dma_wait3A_70 : memref<2x512xi32, #tpu.memory_space<hbm>>) dst(%dma_wait3A_67 : memref<2x512xi32, #tpu.memory_space<vmem>>)
        tpu.yield
      }) : () -> ()
    } else {
    }
    %eq3A_28 = arith.constant 15 : i32
    %eq3A_29 = arith.cmpi eq, %arg1, %eq3A_28 : i32
    %jit3A = arith.constant 20480 : i32
    %jit3A_30 = arith.constant 19968 : i32
    %select_n3A = arith.select %eq3A_29, %jit3A, %jit3A_30 : i32
    %parallel_loop3A_31 = arith.constant 0 : i32
    %parallel_loop3A_32 = arith.constant 16 : i32
    scf.for %parallel_loop3A_46 = %parallel_loop3A_31 to %select_n3A step %parallel_loop3A_32  : i32 {
      %parallel_loop3A_47 = arith.constant 1 : i32
      %parallel_loop3A_48 = arith.index_cast %parallel_loop3A_47 : i32 to index
      %parallel_loop3A_49 = arith.index_cast %parallel_loop3A_46 : i32 to index
      %parallel_loop3A_50 = tpu.vector_load %arg4[%parallel_loop3A_48, %parallel_loop3A_49] {strides = array<i32>} : memref<2x20480xi32, #tpu.memory_space<vmem>>, vector<16xi32>,
      tpu.vector_store_idx %arg5[%parallel_loop3A_50], %broadcast_in_dim3A_14 {add = true} : memref<10240xf32, #tpu.memory_space<vmem>>[vector<16xi32>], vector<16xf32>,
    } {sc.loop_unroll_factor = 4 : i64, sc.parallel_access}
    "tpu.region"() ({
      %run_scoped3A_46 = tpu.sem_alloc : memref<!tpu.dma_semaphore, #tpu.memory_space<semaphore_mem>>
      %dma_start3A_47 = arith.constant 0 : i32
      %dma_start3A_48 = tpu.memref_slice %arg11[%arg1, %dma_start3A_47] : memref<16x10240xf32, #tpu.memory_space<vmem_shared>> -> memref<1x10240xf32, #tpu.memory_space<vmem_shared>>
      %dma_start3A_49 = tpu.memref_squeeze %dma_start3A_48 : memref<1x10240xf32, #tpu.memory_space<vmem_shared>> -> memref<10240xf32, #tpu.memory_space<vmem_shared>>
      %dma_start3A_50 = arith.constant 0 : i32
      %dma_start3A_51 = tpu.memref_slice %arg11[%arg1, %dma_start3A_50] : memref<16x10240xf32, #tpu.memory_space<vmem_shared>> -> memref<1x10240xf32, #tpu.memory_space<vmem_shared>>
      %dma_start3A_52 = tpu.memref_squeeze %dma_start3A_51 : memref<1x10240xf32, #tpu.memory_space<vmem_shared>> -> memref<10240xf32, #tpu.memory_space<vmem_shared>>
      tpu.enqueue_dma source(%arg5 : memref<10240xf32, #tpu.memory_space<vmem>>) target(%dma_start3A_52 : memref<10240xf32, #tpu.memory_space<vmem_shared>>) target_semaphore(%run_scoped3A_46 : memref<!tpu.dma_semaphore, #tpu.memory_space<semaphore_mem>>)
      %dma_wait3A_53 = arith.constant 0 : i32
      %dma_wait3A_54 = tpu.memref_slice %arg11[%arg1, %dma_wait3A_53] : memref<16x10240xf32, #tpu.memory_space<vmem_shared>> -> memref<1x10240xf32, #tpu.memory_space<vmem_shared>>
      %dma_wait3A_55 = tpu.memref_squeeze %dma_wait3A_54 : memref<1x10240xf32, #tpu.memory_space<vmem_shared>> -> memref<10240xf32, #tpu.memory_space<vmem_shared>>
      %dma_wait3A_56 = arith.constant 0 : i32
      %dma_wait3A_57 = tpu.memref_slice %arg11[%arg1, %dma_wait3A_56] : memref<16x10240xf32, #tpu.memory_space<vmem_shared>> -> memref<1x10240xf32, #tpu.memory_space<vmem_shared>>
      %dma_wait3A_58 = tpu.memref_squeeze %dma_wait3A_57 : memref<1x10240xf32, #tpu.memory_space<vmem_shared>> -> memref<10240xf32, #tpu.memory_space<vmem_shared>>
      tpu.wait_dma2 semaphore(%run_scoped3A_46 : memref<!tpu.dma_semaphore, #tpu.memory_space<semaphore_mem>>) src(%arg5 : memref<10240xf32, #tpu.memory_space<vmem>>) dst(%dma_wait3A_58 : memref<10240xf32, #tpu.memory_space<vmem_shared>>)
      tpu.yield
    }) : () -> ()
    %barrier3A = arith.constant 0 : index
    tpu.barrier barrier_id(%barrier3A)
    "tpu.region"() ({
      %run_scoped3A_46 = tpu.sem_alloc : memref<!tpu.dma_semaphore, #tpu.memory_space<semaphore_mem>>
      %dma_start3A_47 = arith.constant 0 : i32
      %dma_start3A_48 = tpu.memref_slice %arg11[%dma_start3A_47, %mul3A_2] : memref<16x10240xf32, #tpu.memory_space<vmem_shared>> -> memref<16x640xf32, #tpu.memory_space<vmem_shared>>
      %dma_start3A_49 = arith.constant 0 : i32
      %dma_start3A_50 = tpu.memref_slice %arg11[%dma_start3A_49, %mul3A_2] : memref<16x10240xf32, #tpu.memory_space<vmem_shared>> -> memref<16x640xf32, #tpu.memory_space<vmem_shared>>
      tpu.enqueue_dma source(%dma_start3A_50 : memref<16x640xf32, #tpu.memory_space<vmem_shared>>) target(%arg9 : memref<16x640xf32, #tpu.memory_space<vmem>>) target_semaphore(%run_scoped3A_46 : memref<!tpu.dma_semaphore, #tpu.memory_space<semaphore_mem>>)
      %dma_wait3A_51 = arith.constant 0 : i32
      %dma_wait3A_52 = tpu.memref_slice %arg11[%dma_wait3A_51, %mul3A_2] : memref<16x10240xf32, #tpu.memory_space<vmem_shared>> -> memref<16x640xf32, #tpu.memory_space<vmem_shared>>
      %dma_wait3A_53 = arith.constant 0 : i32
      %dma_wait3A_54 = tpu.memref_slice %arg11[%dma_wait3A_53, %mul3A_2] : memref<16x10240xf32, #tpu.memory_space<vmem_shared>> -> memref<16x640xf32, #tpu.memory_space<vmem_shared>>
      tpu.wait_dma2 semaphore(%run_scoped3A_46 : memref<!tpu.dma_semaphore, #tpu.memory_space<semaphore_mem>>) src(%dma_wait3A_54 : memref<16x640xf32, #tpu.memory_space<vmem_shared>>) dst(%arg9 : memref<16x640xf32, #tpu.memory_space<vmem>>)
      tpu.yield
    }) : () -> ()
    %parallel_loop3A_33 = arith.constant 0 : i32
    %parallel_loop3A_34 = arith.constant 640 : i32
    %parallel_loop3A_35 = arith.constant 16 : i32
    scf.for %parallel_loop3A_46 = %parallel_loop3A_33 to %parallel_loop3A_34 step %parallel_loop3A_35  : i32 {
      %parallel_loop3A_47 = arith.constant 0 : i32
      %parallel_loop3A_48 = arith.index_cast %parallel_loop3A_47 : i32 to index
      %parallel_loop3A_49 = arith.index_cast %parallel_loop3A_46 : i32 to index
      %parallel_loop3A_50 = tpu.vector_load %arg9[%parallel_loop3A_48, %parallel_loop3A_49] {strides = array<i32>} : memref<16x640xf32, #tpu.memory_space<vmem>>, vector<16xf32>,
      %parallel_loop3A_51 = arith.constant 1 : i32
      %parallel_loop3A_52 = arith.index_cast %parallel_loop3A_51 : i32 to index
      %parallel_loop3A_53 = arith.index_cast %parallel_loop3A_46 : i32 to index
      %parallel_loop3A_54 = tpu.vector_load %arg9[%parallel_loop3A_52, %parallel_loop3A_53] {strides = array<i32>} : memref<16x640xf32, #tpu.memory_space<vmem>>, vector<16xf32>,
      %parallel_loop3A_55 = arith.addf %parallel_loop3A_50, %parallel_loop3A_54 : vector<16xf32>
      %parallel_loop3A_56 = arith.constant 2 : i32
      %parallel_loop3A_57 = arith.index_cast %parallel_loop3A_56 : i32 to index
      %parallel_loop3A_58 = arith.index_cast %parallel_loop3A_46 : i32 to index
      %parallel_loop3A_59 = tpu.vector_load %arg9[%parallel_loop3A_57, %parallel_loop3A_58] {strides = array<i32>} : memref<16x640xf32, #tpu.memory_space<vmem>>, vector<16xf32>,
      %parallel_loop3A_60 = arith.addf %parallel_loop3A_55, %parallel_loop3A_59 : vector<16xf32>
      %parallel_loop3A_61 = arith.constant 3 : i32
      %parallel_loop3A_62 = arith.index_cast %parallel_loop3A_61 : i32 to index
      %parallel_loop3A_63 = arith.index_cast %parallel_loop3A_46 : i32 to index
      %parallel_loop3A_64 = tpu.vector_load %arg9[%parallel_loop3A_62, %parallel_loop3A_63] {strides = array<i32>} : memref<16x640xf32, #tpu.memory_space<vmem>>, vector<16xf32>,
      %parallel_loop3A_65 = arith.addf %parallel_loop3A_60, %parallel_loop3A_64 : vector<16xf32>
      %parallel_loop3A_66 = arith.constant 4 : i32
      %parallel_loop3A_67 = arith.index_cast %parallel_loop3A_66 : i32 to index
      %parallel_loop3A_68 = arith.index_cast %parallel_loop3A_46 : i32 to index
      %parallel_loop3A_69 = tpu.vector_load %arg9[%parallel_loop3A_67, %parallel_loop3A_68] {strides = array<i32>} : memref<16x640xf32, #tpu.memory_space<vmem>>, vector<16xf32>,
      %parallel_loop3A_70 = arith.addf %parallel_loop3A_65, %parallel_loop3A_69 : vector<16xf32>
      %parallel_loop3A_71 = arith.constant 5 : i32
      %parallel_loop3A_72 = arith.index_cast %parallel_loop3A_71 : i32 to index
      %parallel_loop3A_73 = arith.index_cast %parallel_loop3A_46 : i32 to index
      %parallel_loop3A_74 = tpu.vector_load %arg9[%parallel_loop3A_72, %parallel_loop3A_73] {strides = array<i32>} : memref<16x640xf32, #tpu.memory_space<vmem>>, vector<16xf32>,
      %parallel_loop3A_75 = arith.addf %parallel_loop3A_70, %parallel_loop3A_74 : vector<16xf32>
      %parallel_loop3A_76 = arith.constant 6 : i32
      %parallel_loop3A_77 = arith.index_cast %parallel_loop3A_76 : i32 to index
      %parallel_loop3A_78 = arith.index_cast %parallel_loop3A_46 : i32 to index
      %parallel_loop3A_79 = tpu.vector_load %arg9[%parallel_loop3A_77, %parallel_loop3A_78] {strides = array<i32>} : memref<16x640xf32, #tpu.memory_space<vmem>>, vector<16xf32>,
      %parallel_loop3A_80 = arith.addf %parallel_loop3A_75, %parallel_loop3A_79 : vector<16xf32>
      %parallel_loop3A_81 = arith.constant 7 : i32
      %parallel_loop3A_82 = arith.index_cast %parallel_loop3A_81 : i32 to index
      %parallel_loop3A_83 = arith.index_cast %parallel_loop3A_46 : i32 to index
      %parallel_loop3A_84 = tpu.vector_load %arg9[%parallel_loop3A_82, %parallel_loop3A_83] {strides = array<i32>} : memref<16x640xf32, #tpu.memory_space<vmem>>, vector<16xf32>,
      %parallel_loop3A_85 = arith.addf %parallel_loop3A_80, %parallel_loop3A_84 : vector<16xf32>
      %parallel_loop3A_86 = arith.constant 8 : i32
      %parallel_loop3A_87 = arith.index_cast %parallel_loop3A_86 : i32 to index
      %parallel_loop3A_88 = arith.index_cast %parallel_loop3A_46 : i32 to index
      %parallel_loop3A_89 = tpu.vector_load %arg9[%parallel_loop3A_87, %parallel_loop3A_88] {strides = array<i32>} : memref<16x640xf32, #tpu.memory_space<vmem>>, vector<16xf32>,
      %parallel_loop3A_90 = arith.addf %parallel_loop3A_85, %parallel_loop3A_89 : vector<16xf32>
      %parallel_loop3A_91 = arith.constant 9 : i32
      %parallel_loop3A_92 = arith.index_cast %parallel_loop3A_91 : i32 to index
      %parallel_loop3A_93 = arith.index_cast %parallel_loop3A_46 : i32 to index
      %parallel_loop3A_94 = tpu.vector_load %arg9[%parallel_loop3A_92, %parallel_loop3A_93] {strides = array<i32>} : memref<16x640xf32, #tpu.memory_space<vmem>>, vector<16xf32>,
      %parallel_loop3A_95 = arith.addf %parallel_loop3A_90, %parallel_loop3A_94 : vector<16xf32>
      %parallel_loop3A_96 = arith.constant 10 : i32
      %parallel_loop3A_97 = arith.index_cast %parallel_loop3A_96 : i32 to index
      %parallel_loop3A_98 = arith.index_cast %parallel_loop3A_46 : i32 to index
      %parallel_loop3A_99 = tpu.vector_load %arg9[%parallel_loop3A_97, %parallel_loop3A_98] {strides = array<i32>} : memref<16x640xf32, #tpu.memory_space<vmem>>, vector<16xf32>,
      %parallel_loop3A_100 = arith.addf %parallel_loop3A_95, %parallel_loop3A_99 : vector<16xf32>
      %parallel_loop3A_101 = arith.constant 11 : i32
      %parallel_loop3A_102 = arith.index_cast %parallel_loop3A_101 : i32 to index
      %parallel_loop3A_103 = arith.index_cast %parallel_loop3A_46 : i32 to index
      %parallel_loop3A_104 = tpu.vector_load %arg9[%parallel_loop3A_102, %parallel_loop3A_103] {strides = array<i32>} : memref<16x640xf32, #tpu.memory_space<vmem>>, vector<16xf32>,
      %parallel_loop3A_105 = arith.addf %parallel_loop3A_100, %parallel_loop3A_104 : vector<16xf32>
      %parallel_loop3A_106 = arith.constant 12 : i32
      %parallel_loop3A_107 = arith.index_cast %parallel_loop3A_106 : i32 to index
      %parallel_loop3A_108 = arith.index_cast %parallel_loop3A_46 : i32 to index
      %parallel_loop3A_109 = tpu.vector_load %arg9[%parallel_loop3A_107, %parallel_loop3A_108] {strides = array<i32>} : memref<16x640xf32, #tpu.memory_space<vmem>>, vector<16xf32>,
      %parallel_loop3A_110 = arith.addf %parallel_loop3A_105, %parallel_loop3A_109 : vector<16xf32>
      %parallel_loop3A_111 = arith.constant 13 : i32
      %parallel_loop3A_112 = arith.index_cast %parallel_loop3A_111 : i32 to index
      %parallel_loop3A_113 = arith.index_cast %parallel_loop3A_46 : i32 to index
      %parallel_loop3A_114 = tpu.vector_load %arg9[%parallel_loop3A_112, %parallel_loop3A_113] {strides = array<i32>} : memref<16x640xf32, #tpu.memory_space<vmem>>, vector<16xf32>,
      %parallel_loop3A_115 = arith.addf %parallel_loop3A_110, %parallel_loop3A_114 : vector<16xf32>
      %parallel_loop3A_116 = arith.constant 14 : i32
      %parallel_loop3A_117 = arith.index_cast %parallel_loop3A_116 : i32 to index
      %parallel_loop3A_118 = arith.index_cast %parallel_loop3A_46 : i32 to index
      %parallel_loop3A_119 = tpu.vector_load %arg9[%parallel_loop3A_117, %parallel_loop3A_118] {strides = array<i32>} : memref<16x640xf32, #tpu.memory_space<vmem>>, vector<16xf32>,
      %parallel_loop3A_120 = arith.addf %parallel_loop3A_115, %parallel_loop3A_119 : vector<16xf32>
      %parallel_loop3A_121 = arith.constant 15 : i32
      %parallel_loop3A_122 = arith.index_cast %parallel_loop3A_121 : i32 to index
      %parallel_loop3A_123 = arith.index_cast %parallel_loop3A_46 : i32 to index
      %parallel_loop3A_124 = tpu.vector_load %arg9[%parallel_loop3A_122, %parallel_loop3A_123] {strides = array<i32>} : memref<16x640xf32, #tpu.memory_space<vmem>>, vector<16xf32>,
      %parallel_loop3A_125 = arith.addf %parallel_loop3A_120, %parallel_loop3A_124 : vector<16xf32>
      %parallel_loop3A_126 = arith.constant 1.000000e+00 : f32
      %parallel_loop3A_127 = vector.broadcast %parallel_loop3A_126 : f32 to vector<16xf32>
      %parallel_loop3A_128 = arith.addf %parallel_loop3A_125, %parallel_loop3A_127 : vector<16xf32>
      %parallel_loop3A_129 = vector.bitcast %parallel_loop3A_128 : vector<16xf32> to vector<16xi32>
      %parallel_loop3A_130 = arith.constant 1 : i32
      %parallel_loop3A_131 = vector.broadcast %parallel_loop3A_130 : i32 to vector<16xi32>
      %parallel_loop3A_132 = arith.shrsi %parallel_loop3A_129, %parallel_loop3A_131 : vector<16xi32>
      %parallel_loop3A_133 = arith.constant 1597463007 : i32
      %parallel_loop3A_134 = vector.broadcast %parallel_loop3A_133 : i32 to vector<16xi32>
      %parallel_loop3A_135 = arith.subi %parallel_loop3A_134, %parallel_loop3A_132 : vector<16xi32>
      %parallel_loop3A_136 = vector.bitcast %parallel_loop3A_135 : vector<16xi32> to vector<16xf32>
      %parallel_loop3A_137 = arith.constant 5.000000e-01 : f32
      %parallel_loop3A_138 = vector.broadcast %parallel_loop3A_137 : f32 to vector<16xf32>
      %parallel_loop3A_139 = arith.mulf %parallel_loop3A_138, %parallel_loop3A_128 : vector<16xf32>
      %parallel_loop3A_140 = arith.mulf %parallel_loop3A_139, %parallel_loop3A_136 : vector<16xf32>
      %parallel_loop3A_141 = arith.mulf %parallel_loop3A_140, %parallel_loop3A_136 : vector<16xf32>
      %parallel_loop3A_142 = arith.constant 1.500000e+00 : f32
      %parallel_loop3A_143 = vector.broadcast %parallel_loop3A_142 : f32 to vector<16xf32>
      %parallel_loop3A_144 = arith.subf %parallel_loop3A_143, %parallel_loop3A_141 : vector<16xf32>
      %parallel_loop3A_145 = arith.mulf %parallel_loop3A_136, %parallel_loop3A_144 : vector<16xf32>
      %parallel_loop3A_146 = arith.constant 5.000000e-01 : f32
      %parallel_loop3A_147 = vector.broadcast %parallel_loop3A_146 : f32 to vector<16xf32>
      %parallel_loop3A_148 = arith.mulf %parallel_loop3A_147, %parallel_loop3A_128 : vector<16xf32>
      %parallel_loop3A_149 = arith.mulf %parallel_loop3A_148, %parallel_loop3A_145 : vector<16xf32>
      %parallel_loop3A_150 = arith.mulf %parallel_loop3A_149, %parallel_loop3A_145 : vector<16xf32>
      %parallel_loop3A_151 = arith.constant 1.500000e+00 : f32
      %parallel_loop3A_152 = vector.broadcast %parallel_loop3A_151 : f32 to vector<16xf32>
      %parallel_loop3A_153 = arith.subf %parallel_loop3A_152, %parallel_loop3A_150 : vector<16xf32>
      %parallel_loop3A_154 = arith.mulf %parallel_loop3A_145, %parallel_loop3A_153 : vector<16xf32>
      %parallel_loop3A_155 = arith.constant 5.000000e-01 : f32
      %parallel_loop3A_156 = vector.broadcast %parallel_loop3A_155 : f32 to vector<16xf32>
      %parallel_loop3A_157 = arith.mulf %parallel_loop3A_156, %parallel_loop3A_128 : vector<16xf32>
      %parallel_loop3A_158 = arith.mulf %parallel_loop3A_157, %parallel_loop3A_154 : vector<16xf32>
      %parallel_loop3A_159 = arith.mulf %parallel_loop3A_158, %parallel_loop3A_154 : vector<16xf32>
      %parallel_loop3A_160 = arith.constant 1.500000e+00 : f32
      %parallel_loop3A_161 = vector.broadcast %parallel_loop3A_160 : f32 to vector<16xf32>
      %parallel_loop3A_162 = arith.subf %parallel_loop3A_161, %parallel_loop3A_159 : vector<16xf32>
      %parallel_loop3A_163 = arith.mulf %parallel_loop3A_154, %parallel_loop3A_162 : vector<16xf32>
      %parallel_loop3A_164 = arith.index_cast %parallel_loop3A_46 : i32 to index
      %parallel_loop3A_165 = tpu.vector_load %arg7[%parallel_loop3A_164] {strides = array<i32>} : memref<640xf32, #tpu.memory_space<vmem>>, vector<16xf32>,
      tpu.vector_store %arg7[%parallel_loop3A_164], %parallel_loop3A_163 {strides = array<i32>} : memref<640xf32, #tpu.memory_space<vmem>>, vector<16xf32>,
    } {sc.loop_unroll_factor = 4 : i64, sc.parallel_access}
    "tpu.region"() ({
      %run_scoped3A_46 = tpu.sem_alloc : memref<!tpu.dma_semaphore, #tpu.memory_space<semaphore_mem>>
      %dma_start3A_47 = tpu.memref_slice %arg12[%mul3A_2] : memref<10240xf32, #tpu.memory_space<vmem_shared>> -> memref<640xf32, #tpu.memory_space<vmem_shared>>
      %dma_start3A_48 = tpu.memref_slice %arg12[%mul3A_2] : memref<10240xf32, #tpu.memory_space<vmem_shared>> -> memref<640xf32, #tpu.memory_space<vmem_shared>>
      tpu.enqueue_dma source(%arg7 : memref<640xf32, #tpu.memory_space<vmem>>) target(%dma_start3A_48 : memref<640xf32, #tpu.memory_space<vmem_shared>>) target_semaphore(%run_scoped3A_46 : memref<!tpu.dma_semaphore, #tpu.memory_space<semaphore_mem>>)
      %dma_wait3A_49 = tpu.memref_slice %arg12[%mul3A_2] : memref<10240xf32, #tpu.memory_space<vmem_shared>> -> memref<640xf32, #tpu.memory_space<vmem_shared>>
      %dma_wait3A_50 = tpu.memref_slice %arg12[%mul3A_2] : memref<10240xf32, #tpu.memory_space<vmem_shared>> -> memref<640xf32, #tpu.memory_space<vmem_shared>>
      tpu.wait_dma2 semaphore(%run_scoped3A_46 : memref<!tpu.dma_semaphore, #tpu.memory_space<semaphore_mem>>) src(%arg7 : memref<640xf32, #tpu.memory_space<vmem>>) dst(%dma_wait3A_50 : memref<640xf32, #tpu.memory_space<vmem_shared>>)
      tpu.yield
    }) : () -> ()
    %barrier3A_36 = arith.constant 0 : index
    tpu.barrier barrier_id(%barrier3A_36)
    "tpu.region"() ({
      %run_scoped3A_46 = tpu.sem_alloc : memref<!tpu.dma_semaphore, #tpu.memory_space<semaphore_mem>>
      tpu.enqueue_dma source(%arg12 : memref<10240xf32, #tpu.memory_space<vmem_shared>>) target(%arg6 : memref<10240xf32, #tpu.memory_space<vmem>>) target_semaphore(%run_scoped3A_46 : memref<!tpu.dma_semaphore, #tpu.memory_space<semaphore_mem>>)
      tpu.wait_dma2 semaphore(%run_scoped3A_46 : memref<!tpu.dma_semaphore, #tpu.memory_space<semaphore_mem>>) src(%arg12 : memref<10240xf32, #tpu.memory_space<vmem_shared>>) dst(%arg6 : memref<10240xf32, #tpu.memory_space<vmem>>)
      tpu.yield
    }) : () -> ()
    %parallel_loop3A_37 = arith.constant 0 : i32
    %parallel_loop3A_38 = arith.constant 10240 : i32
    %parallel_loop3A_39 = arith.constant 16 : i32
    scf.for %parallel_loop3A_46 = %parallel_loop3A_37 to %parallel_loop3A_38 step %parallel_loop3A_39  : i32 {
      %parallel_loop3A_47 = arith.index_cast %parallel_loop3A_46 : i32 to index
      %parallel_loop3A_48 = tpu.vector_load %arg5[%parallel_loop3A_47] {strides = array<i32>} : memref<10240xf32, #tpu.memory_space<vmem>>, vector<16xf32>,
      tpu.vector_store %arg5[%parallel_loop3A_47], %broadcast_in_dim3A_12 {strides = array<i32>} : memref<10240xf32, #tpu.memory_space<vmem>>, vector<16xf32>,
    } {sc.loop_unroll_factor = 4 : i64, sc.parallel_access}
    %parallel_loop3A_40 = arith.constant 0 : i32
    %parallel_loop3A_41 = arith.constant 16 : i32
    scf.for %parallel_loop3A_46 = %parallel_loop3A_40 to %select_n3A step %parallel_loop3A_41  : i32 {
      %parallel_loop3A_47 = arith.constant 1 : i32
      %parallel_loop3A_48 = arith.index_cast %parallel_loop3A_47 : i32 to index
      %parallel_loop3A_49 = arith.index_cast %parallel_loop3A_46 : i32 to index
      %parallel_loop3A_50 = tpu.vector_load %arg4[%parallel_loop3A_48, %parallel_loop3A_49] {strides = array<i32>} : memref<2x20480xi32, #tpu.memory_space<vmem>>, vector<16xi32>,
      %parallel_loop3A_51 = arith.constant 0 : i32
      %parallel_loop3A_52 = arith.index_cast %parallel_loop3A_51 : i32 to index
      %parallel_loop3A_53 = arith.index_cast %parallel_loop3A_46 : i32 to index
      %parallel_loop3A_54 = tpu.vector_load %arg4[%parallel_loop3A_52, %parallel_loop3A_53] {strides = array<i32>} : memref<2x20480xi32, #tpu.memory_space<vmem>>, vector<16xi32>,
      %parallel_loop3A_55 = tpu.vector_load_idx %arg6[%parallel_loop3A_50] : memref<10240xf32, #tpu.memory_space<vmem>>[vector<16xi32>], vector<16xf32>,
      tpu.vector_store_idx %arg5[%parallel_loop3A_54], %parallel_loop3A_55 {add = true} : memref<10240xf32, #tpu.memory_space<vmem>>[vector<16xi32>], vector<16xf32>,
    } {sc.loop_unroll_factor = 4 : i64, sc.parallel_access}
    "tpu.region"() ({
      %run_scoped3A_46 = tpu.sem_alloc : memref<!tpu.dma_semaphore, #tpu.memory_space<semaphore_mem>>
      %dma_start3A_47 = arith.constant 0 : i32
      %dma_start3A_48 = tpu.memref_slice %arg11[%arg1, %dma_start3A_47] : memref<16x10240xf32, #tpu.memory_space<vmem_shared>> -> memref<1x10240xf32, #tpu.memory_space<vmem_shared>>
      %dma_start3A_49 = tpu.memref_squeeze %dma_start3A_48 : memref<1x10240xf32, #tpu.memory_space<vmem_shared>> -> memref<10240xf32, #tpu.memory_space<vmem_shared>>
      %dma_start3A_50 = arith.constant 0 : i32
      %dma_start3A_51 = tpu.memref_slice %arg11[%arg1, %dma_start3A_50] : memref<16x10240xf32, #tpu.memory_space<vmem_shared>> -> memref<1x10240xf32, #tpu.memory_space<vmem_shared>>
      %dma_start3A_52 = tpu.memref_squeeze %dma_start3A_51 : memref<1x10240xf32, #tpu.memory_space<vmem_shared>> -> memref<10240xf32, #tpu.memory_space<vmem_shared>>
      tpu.enqueue_dma source(%arg5 : memref<10240xf32, #tpu.memory_space<vmem>>) target(%dma_start3A_52 : memref<10240xf32, #tpu.memory_space<vmem_shared>>) target_semaphore(%run_scoped3A_46 : memref<!tpu.dma_semaphore, #tpu.memory_space<semaphore_mem>>)
      %dma_wait3A_53 = arith.constant 0 : i32
      %dma_wait3A_54 = tpu.memref_slice %arg11[%arg1, %dma_wait3A_53] : memref<16x10240xf32, #tpu.memory_space<vmem_shared>> -> memref<1x10240xf32, #tpu.memory_space<vmem_shared>>
      %dma_wait3A_55 = tpu.memref_squeeze %dma_wait3A_54 : memref<1x10240xf32, #tpu.memory_space<vmem_shared>> -> memref<10240xf32, #tpu.memory_space<vmem_shared>>
      %dma_wait3A_56 = arith.constant 0 : i32
      %dma_wait3A_57 = tpu.memref_slice %arg11[%arg1, %dma_wait3A_56] : memref<16x10240xf32, #tpu.memory_space<vmem_shared>> -> memref<1x10240xf32, #tpu.memory_space<vmem_shared>>
      %dma_wait3A_58 = tpu.memref_squeeze %dma_wait3A_57 : memref<1x10240xf32, #tpu.memory_space<vmem_shared>> -> memref<10240xf32, #tpu.memory_space<vmem_shared>>
      tpu.wait_dma2 semaphore(%run_scoped3A_46 : memref<!tpu.dma_semaphore, #tpu.memory_space<semaphore_mem>>) src(%arg5 : memref<10240xf32, #tpu.memory_space<vmem>>) dst(%dma_wait3A_58 : memref<10240xf32, #tpu.memory_space<vmem_shared>>)
      tpu.yield
    }) : () -> ()
    %barrier3A_42 = arith.constant 0 : index
    tpu.barrier barrier_id(%barrier3A_42)
    "tpu.region"() ({
      %run_scoped3A_46 = tpu.sem_alloc : memref<!tpu.dma_semaphore, #tpu.memory_space<semaphore_mem>>
      %dma_start3A_47 = arith.constant 0 : i32
      %dma_start3A_48 = tpu.memref_slice %arg11[%dma_start3A_47, %mul3A_2] : memref<16x10240xf32, #tpu.memory_space<vmem_shared>> -> memref<16x640xf32, #tpu.memory_space<vmem_shared>>
      %dma_start3A_49 = arith.constant 0 : i32
      %dma_start3A_50 = tpu.memref_slice %arg11[%dma_start3A_49, %mul3A_2] : memref<16x10240xf32, #tpu.memory_space<vmem_shared>> -> memref<16x640xf32, #tpu.memory_space<vmem_shared>>
      tpu.enqueue_dma source(%dma_start3A_50 : memref<16x640xf32, #tpu.memory_space<vmem_shared>>) target(%arg9 : memref<16x640xf32, #tpu.memory_space<vmem>>) target_semaphore(%run_scoped3A_46 : memref<!tpu.dma_semaphore, #tpu.memory_space<semaphore_mem>>)
      %dma_wait3A_51 = arith.constant 0 : i32
      %dma_wait3A_52 = tpu.memref_slice %arg11[%dma_wait3A_51, %mul3A_2] : memref<16x10240xf32, #tpu.memory_space<vmem_shared>> -> memref<16x640xf32, #tpu.memory_space<vmem_shared>>
      %dma_wait3A_53 = arith.constant 0 : i32
      %dma_wait3A_54 = tpu.memref_slice %arg11[%dma_wait3A_53, %mul3A_2] : memref<16x10240xf32, #tpu.memory_space<vmem_shared>> -> memref<16x640xf32, #tpu.memory_space<vmem_shared>>
      tpu.wait_dma2 semaphore(%run_scoped3A_46 : memref<!tpu.dma_semaphore, #tpu.memory_space<semaphore_mem>>) src(%dma_wait3A_54 : memref<16x640xf32, #tpu.memory_space<vmem_shared>>) dst(%arg9 : memref<16x640xf32, #tpu.memory_space<vmem>>)
      tpu.yield
    }) : () -> ()
    %parallel_loop3A_43 = arith.constant 0 : i32
    %parallel_loop3A_44 = arith.constant 640 : i32
    %parallel_loop3A_45 = arith.constant 16 : i32
    scf.for %parallel_loop3A_46 = %parallel_loop3A_43 to %parallel_loop3A_44 step %parallel_loop3A_45  : i32 {
      %parallel_loop3A_47 = arith.constant 0 : i32
      %parallel_loop3A_48 = arith.index_cast %parallel_loop3A_47 : i32 to index
      %parallel_loop3A_49 = arith.index_cast %parallel_loop3A_46 : i32 to index
      %parallel_loop3A_50 = tpu.vector_load %arg9[%parallel_loop3A_48, %parallel_loop3A_49] {strides = array<i32>} : memref<16x640xf32, #tpu.memory_space<vmem>>, vector<16xf32>,
      %parallel_loop3A_51 = arith.constant 1 : i32
      %parallel_loop3A_52 = arith.index_cast %parallel_loop3A_51 : i32 to index
      %parallel_loop3A_53 = arith.index_cast %parallel_loop3A_46 : i32 to index
      %parallel_loop3A_54 = tpu.vector_load %arg9[%parallel_loop3A_52, %parallel_loop3A_53] {strides = array<i32>} : memref<16x640xf32, #tpu.memory_space<vmem>>, vector<16xf32>,
      %parallel_loop3A_55 = arith.addf %parallel_loop3A_50, %parallel_loop3A_54 : vector<16xf32>
      %parallel_loop3A_56 = arith.constant 2 : i32
      %parallel_loop3A_57 = arith.index_cast %parallel_loop3A_56 : i32 to index
      %parallel_loop3A_58 = arith.index_cast %parallel_loop3A_46 : i32 to index
      %parallel_loop3A_59 = tpu.vector_load %arg9[%parallel_loop3A_57, %parallel_loop3A_58] {strides = array<i32>} : memref<16x640xf32, #tpu.memory_space<vmem>>, vector<16xf32>,
      %parallel_loop3A_60 = arith.addf %parallel_loop3A_55, %parallel_loop3A_59 : vector<16xf32>
      %parallel_loop3A_61 = arith.constant 3 : i32
      %parallel_loop3A_62 = arith.index_cast %parallel_loop3A_61 : i32 to index
      %parallel_loop3A_63 = arith.index_cast %parallel_loop3A_46 : i32 to index
      %parallel_loop3A_64 = tpu.vector_load %arg9[%parallel_loop3A_62, %parallel_loop3A_63] {strides = array<i32>} : memref<16x640xf32, #tpu.memory_space<vmem>>, vector<16xf32>,
      %parallel_loop3A_65 = arith.addf %parallel_loop3A_60, %parallel_loop3A_64 : vector<16xf32>
      %parallel_loop3A_66 = arith.constant 4 : i32
      %parallel_loop3A_67 = arith.index_cast %parallel_loop3A_66 : i32 to index
      %parallel_loop3A_68 = arith.index_cast %parallel_loop3A_46 : i32 to index
      %parallel_loop3A_69 = tpu.vector_load %arg9[%parallel_loop3A_67, %parallel_loop3A_68] {strides = array<i32>} : memref<16x640xf32, #tpu.memory_space<vmem>>, vector<16xf32>,
      %parallel_loop3A_70 = arith.addf %parallel_loop3A_65, %parallel_loop3A_69 : vector<16xf32>
      %parallel_loop3A_71 = arith.constant 5 : i32
      %parallel_loop3A_72 = arith.index_cast %parallel_loop3A_71 : i32 to index
      %parallel_loop3A_73 = arith.index_cast %parallel_loop3A_46 : i32 to index
      %parallel_loop3A_74 = tpu.vector_load %arg9[%parallel_loop3A_72, %parallel_loop3A_73] {strides = array<i32>} : memref<16x640xf32, #tpu.memory_space<vmem>>, vector<16xf32>,
      %parallel_loop3A_75 = arith.addf %parallel_loop3A_70, %parallel_loop3A_74 : vector<16xf32>
      %parallel_loop3A_76 = arith.constant 6 : i32
      %parallel_loop3A_77 = arith.index_cast %parallel_loop3A_76 : i32 to index
      %parallel_loop3A_78 = arith.index_cast %parallel_loop3A_46 : i32 to index
      %parallel_loop3A_79 = tpu.vector_load %arg9[%parallel_loop3A_77, %parallel_loop3A_78] {strides = array<i32>} : memref<16x640xf32, #tpu.memory_space<vmem>>, vector<16xf32>,
      %parallel_loop3A_80 = arith.addf %parallel_loop3A_75, %parallel_loop3A_79 : vector<16xf32>
      %parallel_loop3A_81 = arith.constant 7 : i32
      %parallel_loop3A_82 = arith.index_cast %parallel_loop3A_81 : i32 to index
      %parallel_loop3A_83 = arith.index_cast %parallel_loop3A_46 : i32 to index
      %parallel_loop3A_84 = tpu.vector_load %arg9[%parallel_loop3A_82, %parallel_loop3A_83] {strides = array<i32>} : memref<16x640xf32, #tpu.memory_space<vmem>>, vector<16xf32>,
      %parallel_loop3A_85 = arith.addf %parallel_loop3A_80, %parallel_loop3A_84 : vector<16xf32>
      %parallel_loop3A_86 = arith.constant 8 : i32
      %parallel_loop3A_87 = arith.index_cast %parallel_loop3A_86 : i32 to index
      %parallel_loop3A_88 = arith.index_cast %parallel_loop3A_46 : i32 to index
      %parallel_loop3A_89 = tpu.vector_load %arg9[%parallel_loop3A_87, %parallel_loop3A_88] {strides = array<i32>} : memref<16x640xf32, #tpu.memory_space<vmem>>, vector<16xf32>,
      %parallel_loop3A_90 = arith.addf %parallel_loop3A_85, %parallel_loop3A_89 : vector<16xf32>
      %parallel_loop3A_91 = arith.constant 9 : i32
      %parallel_loop3A_92 = arith.index_cast %parallel_loop3A_91 : i32 to index
      %parallel_loop3A_93 = arith.index_cast %parallel_loop3A_46 : i32 to index
      %parallel_loop3A_94 = tpu.vector_load %arg9[%parallel_loop3A_92, %parallel_loop3A_93] {strides = array<i32>} : memref<16x640xf32, #tpu.memory_space<vmem>>, vector<16xf32>,
      %parallel_loop3A_95 = arith.addf %parallel_loop3A_90, %parallel_loop3A_94 : vector<16xf32>
      %parallel_loop3A_96 = arith.constant 10 : i32
      %parallel_loop3A_97 = arith.index_cast %parallel_loop3A_96 : i32 to index
      %parallel_loop3A_98 = arith.index_cast %parallel_loop3A_46 : i32 to index
      %parallel_loop3A_99 = tpu.vector_load %arg9[%parallel_loop3A_97, %parallel_loop3A_98] {strides = array<i32>} : memref<16x640xf32, #tpu.memory_space<vmem>>, vector<16xf32>,
      %parallel_loop3A_100 = arith.addf %parallel_loop3A_95, %parallel_loop3A_99 : vector<16xf32>
      %parallel_loop3A_101 = arith.constant 11 : i32
      %parallel_loop3A_102 = arith.index_cast %parallel_loop3A_101 : i32 to index
      %parallel_loop3A_103 = arith.index_cast %parallel_loop3A_46 : i32 to index
      %parallel_loop3A_104 = tpu.vector_load %arg9[%parallel_loop3A_102, %parallel_loop3A_103] {strides = array<i32>} : memref<16x640xf32, #tpu.memory_space<vmem>>, vector<16xf32>,
      %parallel_loop3A_105 = arith.addf %parallel_loop3A_100, %parallel_loop3A_104 : vector<16xf32>
      %parallel_loop3A_106 = arith.constant 12 : i32
      %parallel_loop3A_107 = arith.index_cast %parallel_loop3A_106 : i32 to index
      %parallel_loop3A_108 = arith.index_cast %parallel_loop3A_46 : i32 to index
      %parallel_loop3A_109 = tpu.vector_load %arg9[%parallel_loop3A_107, %parallel_loop3A_108] {strides = array<i32>} : memref<16x640xf32, #tpu.memory_space<vmem>>, vector<16xf32>,
      %parallel_loop3A_110 = arith.addf %parallel_loop3A_105, %parallel_loop3A_109 : vector<16xf32>
      %parallel_loop3A_111 = arith.constant 13 : i32
      %parallel_loop3A_112 = arith.index_cast %parallel_loop3A_111 : i32 to index
      %parallel_loop3A_113 = arith.index_cast %parallel_loop3A_46 : i32 to index
      %parallel_loop3A_114 = tpu.vector_load %arg9[%parallel_loop3A_112, %parallel_loop3A_113] {strides = array<i32>} : memref<16x640xf32, #tpu.memory_space<vmem>>, vector<16xf32>,
      %parallel_loop3A_115 = arith.addf %parallel_loop3A_110, %parallel_loop3A_114 : vector<16xf32>
      %parallel_loop3A_116 = arith.constant 14 : i32
      %parallel_loop3A_117 = arith.index_cast %parallel_loop3A_116 : i32 to index
      %parallel_loop3A_118 = arith.index_cast %parallel_loop3A_46 : i32 to index
      %parallel_loop3A_119 = tpu.vector_load %arg9[%parallel_loop3A_117, %parallel_loop3A_118] {strides = array<i32>} : memref<16x640xf32, #tpu.memory_space<vmem>>, vector<16xf32>,
      %parallel_loop3A_120 = arith.addf %parallel_loop3A_115, %parallel_loop3A_119 : vector<16xf32>
      %parallel_loop3A_121 = arith.constant 15 : i32
      %parallel_loop3A_122 = arith.index_cast %parallel_loop3A_121 : i32 to index
      %parallel_loop3A_123 = arith.index_cast %parallel_loop3A_46 : i32 to index
      %parallel_loop3A_124 = tpu.vector_load %arg9[%parallel_loop3A_122, %parallel_loop3A_123] {strides = array<i32>} : memref<16x640xf32, #tpu.memory_space<vmem>>, vector<16xf32>,
      %parallel_loop3A_125 = arith.addf %parallel_loop3A_120, %parallel_loop3A_124 : vector<16xf32>
      %parallel_loop3A_126 = arith.index_cast %parallel_loop3A_46 : i32 to index
      %parallel_loop3A_127 = tpu.vector_load %arg7[%parallel_loop3A_126] {strides = array<i32>} : memref<640xf32, #tpu.memory_space<vmem>>, vector<16xf32>,
      %parallel_loop3A_128 = arith.addf %parallel_loop3A_125, %parallel_loop3A_127 : vector<16xf32>
      %parallel_loop3A_129 = arith.mulf %parallel_loop3A_127, %parallel_loop3A_128 : vector<16xf32>
      %parallel_loop3A_130 = arith.index_cast %parallel_loop3A_46 : i32 to index
      %parallel_loop3A_131 = tpu.vector_load %arg8[%parallel_loop3A_130] {strides = array<i32>} : memref<640xf32, #tpu.memory_space<vmem>>, vector<16xf32>,
      tpu.vector_store %arg8[%parallel_loop3A_130], %parallel_loop3A_129 {strides = array<i32>} : memref<640xf32, #tpu.memory_space<vmem>>, vector<16xf32>,
    } {sc.loop_unroll_factor = 4 : i64, sc.parallel_access}
    %run_scoped3A = arith.constant 0 : i32
    "tpu.region"() ({
      %run_scoped3A_46 = tpu.sem_alloc : memref<!tpu.dma_semaphore, #tpu.memory_space<semaphore_mem>>
      %dma_start3A_47 = tpu.memref_slice %arg3[%run_scoped3A, %mul3A_2] : memref<1x10240xf32, #tpu.memory_space<hbm>> -> memref<1x640xf32, #tpu.memory_space<hbm>>
      %dma_start3A_48 = tpu.memref_squeeze %dma_start3A_47 : memref<1x640xf32, #tpu.memory_space<hbm>> -> memref<640xf32, #tpu.memory_space<hbm>>
      %dma_start3A_49 = tpu.memref_slice %arg3[%run_scoped3A, %mul3A_2] : memref<1x10240xf32, #tpu.memory_space<hbm>> -> memref<1x640xf32, #tpu.memory_space<hbm>>
      %dma_start3A_50 = tpu.memref_squeeze %dma_start3A_49 : memref<1x640xf32, #tpu.memory_space<hbm>> -> memref<640xf32, #tpu.memory_space<hbm>>
      tpu.enqueue_dma source(%arg8 : memref<640xf32, #tpu.memory_space<vmem>>) target(%dma_start3A_50 : memref<640xf32, #tpu.memory_space<hbm>>) target_semaphore(%run_scoped3A_46 : memref<!tpu.dma_semaphore, #tpu.memory_space<semaphore_mem>>)
      %dma_wait3A_51 = tpu.memref_slice %arg3[%run_scoped3A, %mul3A_2] : memref<1x10240xf32, #tpu.memory_space<hbm>> -> memref<1x640xf32, #tpu.memory_space<hbm>>
      %dma_wait3A_52 = tpu.memref_squeeze %dma_wait3A_51 : memref<1x640xf32, #tpu.memory_space<hbm>> -> memref<640xf32, #tpu.memory_space<hbm>>
      %dma_wait3A_53 = tpu.memref_slice %arg3[%run_scoped3A, %mul3A_2] : memref<1x10240xf32, #tpu.memory_space<hbm>> -> memref<1x640xf32, #tpu.memory_space<hbm>>
      %dma_wait3A_54 = tpu.memref_squeeze %dma_wait3A_53 : memref<1x640xf32, #tpu.memory_space<hbm>> -> memref<640xf32, #tpu.memory_space<hbm>>
      tpu.wait_dma2 semaphore(%run_scoped3A_46 : memref<!tpu.dma_semaphore, #tpu.memory_space<semaphore_mem>>) src(%arg8 : memref<640xf32, #tpu.memory_space<vmem>>) dst(%dma_wait3A_54 : memref<640xf32, #tpu.memory_space<hbm>>)
      tpu.yield
    }) : () -> ()
    return
  }
}

module attributes {stable_mosaic.version = 14 : i64} {
  func.func @_dense_body(%arg0: memref<1x10240xf32, #tpu.memory_space<vmem>>, %arg1: memref<10000x128xf32, #tpu.memory_space<vmem>>, %arg2: memref<128x256xf32, #tpu.memory_space<vmem>>, %arg3: memref<1x256xf32, #tpu.memory_space<vmem>>, %arg4: memref<256x10xf32, #tpu.memory_space<vmem>>, %arg5: memref<1x10xf32, #tpu.memory_space<vmem>>, %arg6: memref<1x10xf32, #tpu.memory_space<vmem>>) attributes {dimension_semantics = [], scalar_prefetch = 0 : i64, scratch_operands = 0 : i64, tpu.core_type = #tpu.core_type<tc>} {
    %get3A = arith.constant 0 : index
    %get3A_0 = arith.constant 0 : index
    %get3A_1 = vector.load %arg0[%get3A, %get3A_0] : memref<1x10240xf32, #tpu.memory_space<vmem>>, vector<1x10240xf32>
    %slice3A = vector.extract_strided_slice %get3A_1 {offsets = [0, 0], sizes = [1, 10000], strides = [1, 1]} : vector<1x10240xf32> to vector<1x10000xf32>
    %get3A_2 = arith.constant 0 : index
    %get3A_3 = arith.constant 0 : index
    %get3A_4 = vector.load %arg1[%get3A_2, %get3A_3] : memref<10000x128xf32, #tpu.memory_space<vmem>>, vector<10000x128xf32>
    %dot_general3A = arith.constant dense<0.000000e+00> : vector<1x128xf32>
    %dot_general3A_5 = tpu.matmul %slice3A, %get3A_4, %dot_general3A {dimension_numbers = #tpu.dot_dimension_numbers<[1], [0], [0], [1], [0, 0, 1, 1], [], []>, transpose_lhs_hint = false} : vector<1x10000xf32>, vector<10000x128xf32>, vector<1x128xf32> -> vector<1x128xf32>
    %reduce_sum3A = vector.shape_cast %slice3A : vector<1x10000xf32> to vector<1x1x10000xf32>
    %reduce_sum3A_6 = arith.constant dense<0.000000e+00> : vector<1xf32>
    %reduce_sum3A_7 = vector.multi_reduction <add>, %reduce_sum3A, %reduce_sum3A_6 [1, 2] : vector<1x1x10000xf32> to vector<1xf32>
    %reduce_sum3A_8 = vector.shape_cast %reduce_sum3A_7 : vector<1xf32> to vector<1x1x1xf32>
    %reduce_sum3A_9 = vector.extract %reduce_sum3A_8[0, 0, 0] : f32 from vector<1x1x1xf32>
    %get3A_10 = arith.constant 0 : index
    %get3A_11 = arith.constant 0 : index
    %get3A_12 = vector.load %arg2[%get3A_10, %get3A_11] : memref<128x256xf32, #tpu.memory_space<vmem>>, vector<128x256xf32>
    %dot_general3A_13 = arith.constant dense<0.000000e+00> : vector<1x256xf32>
    %dot_general3A_14 = tpu.matmul %dot_general3A_5, %get3A_12, %dot_general3A_13 {dimension_numbers = #tpu.dot_dimension_numbers<[1], [0], [0], [1], [0, 0, 1, 1], [], []>, transpose_lhs_hint = false} : vector<1x128xf32>, vector<128x256xf32>, vector<1x256xf32> -> vector<1x256xf32>
    %get3A_15 = arith.constant 0 : index
    %get3A_16 = arith.constant 0 : index
    %get3A_17 = vector.load %arg3[%get3A_15, %get3A_16] : memref<1x256xf32, #tpu.memory_space<vmem>>, vector<1x256xf32>
    %mul3A = vector.broadcast %reduce_sum3A_9 : f32 to vector<1x256xf32>
    %mul3A_18 = arith.mulf %mul3A, %get3A_17 : vector<1x256xf32>
    %add3A = arith.addf %dot_general3A_14, %mul3A_18 : vector<1x256xf32>
    %mul3A_19 = arith.constant 9.99999974E-5 : f32
    %mul3A_20 = vector.broadcast %mul3A_19 : f32 to vector<1x256xf32>
    %mul3A_21 = arith.mulf %add3A, %mul3A_20 : vector<1x256xf32>
    %get3A_22 = arith.constant 0 : index
    %get3A_23 = arith.constant 0 : index
    %get3A_24 = vector.load %arg4[%get3A_22, %get3A_23] : memref<256x10xf32, #tpu.memory_space<vmem>>, vector<256x10xf32>
    %dot_general3A_25 = arith.constant dense<0.000000e+00> : vector<1x10xf32>
    %dot_general3A_26 = tpu.matmul %mul3A_21, %get3A_24, %dot_general3A_25 {dimension_numbers = #tpu.dot_dimension_numbers<[1], [0], [0], [1], [0, 0, 1, 1], [], []>, transpose_lhs_hint = false} : vector<1x256xf32>, vector<256x10xf32>, vector<1x10xf32> -> vector<1x10xf32>
    %get3A_27 = arith.constant 0 : index
    %get3A_28 = arith.constant 0 : index
    %get3A_29 = vector.load %arg5[%get3A_27, %get3A_28] : memref<1x10xf32, #tpu.memory_space<vmem>>, vector<1x10xf32>
    %add3A_30 = arith.addf %dot_general3A_26, %get3A_29 : vector<1x10xf32>
    %swap3A = arith.constant 0 : index
    %swap3A_31 = arith.constant 0 : index
    %swap3A_32 = vector.load %arg6[%swap3A, %swap3A_31] : memref<1x10xf32, #tpu.memory_space<vmem>>, vector<1x10xf32>
    tpu.vector_store %arg6[%swap3A, %swap3A_31], %add3A_30 {strides = array<i32>} : memref<1x10xf32, #tpu.memory_space<vmem>>, vector<1x10xf32>,
    return
  }
}

</mosaic_0001>

<sc_bundles>
// kernel: kernel.4.cloned.1.call-start
scs
__scs_entry_jumppad:
0x0: {  	(pc) =	sbr.rel $0x88, $3  }
0x1: {  	(tag) =	ssettag $0x0;
	lr =	simm.s32 $0x1  }
0x2: {  	[smem:$0x3F9B] =	sst lr;
	_ =	strace $0xD0000000  }
0x3: {  	_ = 	snop  }
0x4: {  	_ = 	snop  }
0x5: {  	_ = 	snop  }
0x6: {  	_ = 	snop  }
0x7: {  	_ = 	snop  }
__scs_overlays_trampoline_lowered:
0x8: {  	[smem:$0x3FAA] =	sst s0  }
0x9: {  	[smem:$0x3FAB] =	sst s1  }
0xa: {  	[smem:$0x3FAC] =	sst s2  }
0xb: {  	[smem:$0x3FAD] =	sst s3  }
0xc: {  	[smem:$0x3FAE] =	sst s4  }
0xd: {  	[smem:$0x3FAF] =	sst s5  }
0xe: {  	[smem:$0x3FB0] =	sst s6  }
0xf: {  	[smem:$0x3FB1] =	sst s7  }
0x10: {  	[smem:$0x3FB2] =	sst s8  }
0x11: {  	[smem:$0x3FB3] =	sst s9;
	s0 =	simm.s32 @!p0 $0x0  }
0x12: {  	s1 =	sld [smem:$0x3F99];
	s0 =	simm.s32 @p0 $0x1  }
0x13: {  	[smem:$0x3FB4] =	sst s0;
	s0 =	simm.s32 @!p1 $0x0  }
0x14: {  	s2 =	sld [smem:$0x3F98];
	s0 =	simm.s32 @p1 $0x1  }
0x15: {  	[smem:$0x3FB5] =	sst s0;
	s0 =	simm.s32 @!p2 $0x0  }
0x16: {  	s3 =	sld [smem:$0x3FDB];
	s0 =	simm.s32 @p2 $0x1  }
0x17: {  	s4 =	simm.s32 $0x1BF5;
	[smem:$0x3FB7] =	sst s0  }
0x18: {  	s0 =	sld [smem:$0x3F9A];
	_ =	swait.ge [sflag:s4], $0x0  }
0x19: {  	s7 =	sld [smem:$0x3F9B]  }
0x1a: {  	s8 =	sadd.s32 $0xFFFFE003, lr  }
0x1b: {  	s9 =	sadd.s32 $0xFFFFFEF7, lr;
	s5 =	simm.s32 $0xFFFFFFFF;
	p2 =	slt.u32 s8, $0xFFFFF086  }
0x1c: {  	p1 =	slt.u32 s9, $0xF7A;
	s5 =	simm.s32 @!p2 $0x0  }
0x1d: {  	s5 =	simm.s32 @p1 $0x1;
	p0 =	seq.s32 s7, s2  }
0x1e: {  	s7 =	smul.u32 @!p0 $0xF7A, s2;
	p2 =	seq.s32 @!p0 s5, $0x0  }
0x1f: {  	s9 =	smul.u32 $0xF7A, s1;
	s8 =	simm.s32 @!p0 $0x1BF5;
	p2 =	por !p2, p0  }
0x20: {  	[sflag:s8] =	ssyncset.s32 @!p0 $0xFFFFF086;
	s6 =	sadd.s32 @!p0 s3, s7;
	s7 =	simm.s32 @!p0 $0x108  }
0x21: {  	s3 =	sadd.s32 s3, s9;
	s6 =	sadd.s32 @!p0 $0x88, s6;
	s7 =	simm.s32 @p2 $0x1082  }
0x22: {  	[simem:s7], [sflag:s8] =	dma.local @!p0 [hbm:s6], $0xF7A  }
0x23: {  	s9 =	sor.u32 $0xD0000000, s2;
	s6 =	simm.s32 $0x108;
	_ =	swait.ge @!p0 [sflag:s8], $0x0  }
0x24: {  	s3 =	sadd.s32 $0x88, s3;
	s6 =	simm.s32 @!p1 $0x1082;
	[sflag:s4] =	ssyncset.s32 $0xFFFFF086  }
0x25: {  	[simem:s6], [sflag:s4] =	dma.local [hbm:s3], $0xF7A  }
0x26: {  	[smem:$0x3F9B] =	sst s1;
	(tag) =	ssettag s2;
	_ =	strace s9  }
0x27: {  	s1 =	sld [smem:$0x3FAB]  }
0x28: {  	s2 =	sld [smem:$0x3FAC]  }
0x29: {  	s4 =	sld [smem:$0x3FAE]  }
0x2a: {  	p0 =	seq.s32 s5, $0x0;
	s5 =	sld [smem:$0x3FAF]  }
0x2b: {  	s6 =	sld [smem:$0x3FB0]  }
0x2c: {  	s7 =	sld [smem:$0x3FB1]  }
0x2d: {  	s3 =	simm.s32 $0x108;
	s8 =	sld [smem:$0x3FB2]  }
0x2e: {  	s3 =	simm.s32 @!p0 $0x1082;
	s9 =	sld [smem:$0x3FB3]  }
0x2f: {  	lr =	sadd.s32 s0, s3;
	s0 =	sld [smem:$0x3FAA]  }
0x30: {  	s3 =	sld [smem:$0x3FAD]  }
0x31: {  	[smem:$0x3FB6] =	sst s10  }
0x32: {  	s10 =	sld [smem:$0x3FB4];
	_ =	sdelay $0x3  }
0x33: {  	p0 =	seq.s32 s10, $0x1;
	s10 =	sld [smem:$0x3FB6];
	_ =	sdelay $0x3  }
0x34: {  	[smem:$0x3FB6] =	sst s10  }
0x35: {  	s10 =	sld [smem:$0x3FB5];
	_ =	sdelay $0x3  }
0x36: {  	p1 =	seq.s32 s10, $0x1;
	s10 =	sld [smem:$0x3FB6];
	_ =	sdelay $0x3  }
0x37: {  	[smem:$0x3FB6] =	sst s10  }
0x38: {  	s10 =	sld [smem:$0x3FB7]  }
0x39: {  	_ = 	snop;
	(pc) =	sbr.ind lr, $3  }
0x3a: {  	_ = 	snop  }
0x3b: {  	_ = 	snop  }
0x3c: {  	p2 =	seq.s32 s10, $0x1;
	s10 =	sld [smem:$0x3FB6]  }
0x3d: {  	_ =	shalt  }
0x3e: {  	_ =	shalt  }
0x3f: {  	_ =	shalt  }
0x40: {  	_ =	shalt  }
0x41: {  	_ =	shalt  }
0x42: {  	_ =	shalt  }
0x43: {  	_ =	shalt  }
0x44: {  	_ =	shalt  }
0x45: {  	_ =	shalt  }
0x46: {  	_ =	shalt  }
0x47: {  	_ =	shalt  }
0x48: {  	_ =	shalt  }
0x49: {  	_ =	shalt  }
0x4a: {  	_ =	shalt  }
0x4b: {  	_ =	shalt  }
0x4c: {  	_ =	shalt  }
0x4d: {  	_ =	shalt  }
0x4e: {  	_ =	shalt  }
0x4f: {  	_ =	shalt  }
0x50: {  	_ =	shalt  }
0x51: {  	_ =	shalt  }
0x52: {  	_ =	shalt  }
0x53: {  	_ =	shalt  }
0x54: {  	_ =	shalt  }
0x55: {  	_ =	shalt  }
0x56: {  	_ =	shalt  }
0x57: {  	_ =	shalt  }
0x58: {  	_ =	shalt  }
0x59: {  	_ =	shalt  }
0x5a: {  	_ =	shalt  }
0x5b: {  	_ =	shalt  }
0x5c: {  	_ =	shalt  }
0x5d: {  	_ =	shalt  }
0x5e: {  	_ =	shalt  }
0x5f: {  	_ =	shalt  }
0x60: {  	_ =	shalt  }
0x61: {  	_ =	shalt  }
0x62: {  	_ =	shalt  }
0x63: {  	_ =	shalt  }
0x64: {  	_ =	shalt  }
0x65: {  	_ =	shalt  }
0x66: {  	_ =	shalt  }
0x67: {  	_ =	shalt  }
0x68: {  	_ =	shalt  }
0x69: {  	_ =	shalt  }
0x6a: {  	_ =	shalt  }
0x6b: {  	_ =	shalt  }
0x6c: {  	_ =	shalt  }
0x6d: {  	_ =	shalt  }
0x6e: {  	_ =	shalt  }
0x6f: {  	_ =	shalt  }
0x70: {  	_ =	shalt  }
0x71: {  	_ =	shalt  }
0x72: {  	_ =	shalt  }
0x73: {  	_ =	shalt  }
0x74: {  	_ =	shalt  }
0x75: {  	_ =	shalt  }
0x76: {  	_ =	shalt  }
0x77: {  	_ =	shalt  }
0x78: {  	_ =	shalt  }
0x79: {  	_ =	shalt  }
0x7a: {  	_ =	shalt  }
0x7b: {  	_ =	shalt  }
0x7c: {  	_ =	shalt  }
0x7d: {  	_ =	shalt  }
0x7e: {  	_ =	shalt  }
0x7f: {  	_ =	shalt  }
0x80: {  	_ =	shalt  }
0x81: {  	_ =	shalt  }
0x82: {  	_ =	shalt  }
0x83: {  	_ =	shalt  }
0x84: {  	_ =	shalt  }
0x85: {  	_ =	shalt  }
0x86: {  	_ =	shalt  }
0x87: {  	_ =	shalt  }
.Lfunc_end0:
.L_simem_size_0:
called_computation_lowered:
.L_overlay_start_0:
0x88: {  	s0 =	sld [smem:$0x3FD9]  }
0x89: {  	s1 =	sld [smem:$0x3FFE];
	_ =	sdelay $0x3  }
0x8a: {  	s0 =	sadd.s32 s1, s0  }
0x8b: {  	[smem:$0x3FC2] =	sst s0  }
0x8c: {  	_ = 	snop  }
0x8d: {  	s0 =	sld [smem:$0x3FC8];
	(tm) =	ssettm $0x1  }
0x8e: {  	s16 =	sld [smem:$0x3FFB];
	_ =	sdelay $0x3  }
0x8f: {  	_ =	strace s16  }
0x90: {  	s1 =	sld [smem:$0x3FFC];
	_ =	sdelay $0x3  }
0x91: {  	_ =	strace s1  }
0x92: {  	s1 =	sld [smem:$0x3FFD];
	_ =	sdelay $0x3  }
0x93: {  	_ =	strace s1  }
0x94: {  	_ =	strace $0x8FFFFFFF  }
0x95: {  	s17 =	sld [smem:$0x3FDB];
	_ =	sdelay $0x1  }
0x96: {  	s2 =	simm.s32 $_scs_section_size  }
0x97: {  	s3 =	simm.s32 $_size__tile_overlayer_lowered;
	s4 =	simm.s32 $_tile_overlayer_lowered  }
0x98: {  	s20 =	simm.s32 $0x1BFF;
	s19 =	sshll.u32 s4, $0x1;
	s1 =	sadd.s32 s2, s17  }
0x99: {  	s5 =	simm.s32 $0x0;
	s18 =	sshll.u32 s3, $0x1;
	s3 =	sadd.s32 s19, s1  }
0x9a: {  	[timem:s5], [sflag:s20] =	dma.local [hbm:s3], s18  }
0x9b: {  	_ =	swait.ge [sflag:s20], s18  }
0x9c: {  	s2 =	ssub.s32 $0x0, s18;
	[sflag:s20] =	ssyncset.done $0x0  }
0x9d: {  	[sflag:s20] =	ssyncadd.s32 s2;
	_ =	sdelay $0x1  }
0x9e: {  	s21 =	simm.s32 $0x1B8B  }
0x9f: {  	_ =	swait.ge [sflag:s21], $0x1  }
0xa0: {  	[sflag:s21] =	ssyncset.done $0x0  }
0xa1: {  	s23 =	simm.s32 $0x1B8E;
	s22 =	sld [smem:$0x3FFE];
	[sflag:s21] =	ssyncadd.s32 $0xFFFFFFFF  }
0xa2: {  	s24 =	simm.s32 $execute0_lowered;
	[smem:$0x3FD2] =	sst s23  }
0xa3: {  	s3 =	sshll.u32 s24, $0x1;
	_ =	strace $0x80000046;
	[dreg:$0x1] =	wrdreg $0xFFFFFFFF  }
0xa4: {  	s25 =	simm.s32 $_size_execute0_lowered;
	s1 =	sadd.s32 s1, s3;
	[dreg:$0x0] =	wrdreg $0x0  }
0xa5: {  	s3 =	sshll.u32 s25, $0x1;
	[dreg:$0x2] =	wrdreg s1  }
0xa6: {  	[dreg:$0x3] =	wrdreg s3  }
0xa7: {  	[dreg:$0x4] =	wrdreg $0xC0  }
0xa8: {  	_ =	task [dreg:s5], $0x5FFFF  }
0xa9: {  	[dreg:$0x1] =	wrdreg $0xFFFFFFFF  }
0xaa: {  	[dreg:$0x0] =	wrdreg $0x60  }
0xab: {  	[dreg:$0x2] =	wrdreg s0  }
0xac: {  	[dreg:$0x3] =	wrdreg s22  }
0xad: {  	[dreg:$0x4] =	wrdreg $0x11D000  }
0xae: {  	[dreg:$0x5] =	wrdreg $0x145000  }
0xaf: {  	[dreg:$0x6] =	wrdreg $0x9  }
0xb0: {  	_ =	task.clear_ibuf [dreg:s5], $0x7FFFF;
	_ =	strace $0x90000046  }
0xb1: {  	s26 =	simm.s32 $0x9;
	_ =	strace $0x80000048  }
0xb2: {  	_ =	swait.ge [sflag:s26], $0x1  }
0xb3: {  	[sflag:s26] =	ssyncadd.s32 $0xFFFFFFFF  }
0xb4: {  	_ =	strace $0x90000048  }
0xb5: {  	_ =	sfence  }
0xb6: {  	s28 =	sld [smem:$0x0];
	_ =	sdelay $0x1  }
0xb7: {  	s29 =	srdreg.scid  }
0xb8: {  	s30 =	sshll.u32 s29, $0xD;
	s31 =	sshrl.u32 s29, $0x2  }
0xb9: {  	s2 =	sand.u32 $0x4000, s30;
	s1 =	sand.u32 $0x1, s29;
	s0 =	sadd.s32 s31, s28  }
0xba: {  	s1 =	sor.u32 s2, s1;
	s0 =	sshll.u32 s0, $0x11  }
0xbb: {  	s0 =	sor.u32 s0, s1  }
0xbc: {  	s0 =	sadd.s32 $0x8F2B, s0  }
0xbd: {  	[sflag:s0] =	ssyncadd.remote.s32 $0x1  }
0xbe: {  	_ =	sfence.sel $0xFFFF  }
0xbf: {  	[dreg:$0x0] =	wrdreg $0xFFFFFFFF;
	(pc) =	sbr.abs _section_cstart, $3  }
0xc0: {  	[dreg:$0x1] =	wrdreg $0xFFFFFFFF  }
0xc1: {  	_ =	task.clear_ibuf [dreg:s5], $0x2FFFF;
	_ =	strace $0x9FFFFFFF  }
0xc2: {  	(tm) =	ssettm $0x7FFFFFFF  }
0xc3: {  	_ =	shalt  }
tec
execute0_lowered:
.L_overlay_start_1:
0x0: {  	(tag) =	ssettag $0x1  }
0x1: {  	s3 =	rddreg [dreg:$0x0]  }
0x2: {  	s2 =	rddreg [dreg:$0x1];
	s7 =	stileid.u32  }
0x3: {  	s0 =	rddreg [dreg:$0x2];
	s1 =	simm.s32 $0x0;
	s4 =	smul.u32 $0x1380, s7  }
0x4: {  	[smem:$0x7FF] =	sst s1  }
0x5: {  	s10 =	rddreg [dreg:$0x3];
	_ =	strace $0x80000047;
	s4 =	sadd.s32 s3, s4  }
0x6: {  	[tilespmem:s1], [sflag:$0x1] =	stream.linear.gather [hbm4b:s4+s1], $0x9C00, $0x38;
	[tilespmem:$0x14780] =	vst v63  }
0x7: {  	v0 =	vimm.f32 $0.0e+00;
	s1 =	simm.s32 $0xA020  }
0x8: {  	[tilespmem:s1+$0xFFFFFFE0] =	vst v0  }
0x9: {  	[tilespmem:s1+$0x10] =	vst v0  }
0xa: {  	s2 =	sadd.s32 $0x1000, s2;
	s4 =	simm.s32 $0x0;
	[tilespmem:s1+$0x0] =	vst v0  }
.LBB2_1:
0xb: {  	s4 =	sadd.s32 $0x40, s4  }
0xc: {  	[tilespmem:s1+$0xFFFFFFF0] =	vst v0;
	s1 =	sadd.s32 $0x40, s1;
	p0 =	slt.u32 s4, $0x27C0  }
.Ltmp0:
0xd: {  	[tilespmem:s1+$0xFFFFFFE0] =	vst v0;
	(pc) =	sbr.rel @p0 .LBB2_1-.Ltmp0, $3  }
0xe: {  	_ =	sdelay $0x1  }
0xf: {  	[tilespmem:s1+$0x10] =	vst v0  }
0x10: {  	[tilespmem:s1+$0x0] =	vst v0  }
0x11: {  	[tilespmem:s1+$0xFFFFFFF0] =	vst v0;
	s1 =	simm.s32 $0x1;
	s4 =	sshrl.u32 s7, $0x3;
	s24 =	smul.u32 $0x5000, s7  }
0x12: {  	p0 =	sne.s32 s7, $0xF;
	s23 =	sshll.u32 s7, $0x7;
	s25 =	smul.u32 $0x280, s7  }
0x13: {  	_ =	swait.ge [sflag:s1], $0x9C00;
	s4 =	smul.u32 $0x50000, s4;
	s3 =	sadd.s32 @!p0 $0x13800, s3  }
0x14: {  	s5 =	simm.s32 @!p0 $0x0;
	s6 =	simm.s32 @!p0 $0x9C00;
	[sflag:s1] =	ssyncset.done $0x0  }
0x15: {  	s7 =	simm.s32 @!p0 $0x2;
	s28 =	sshrl.u32 s25, $0x3;
	[sflag:s1] =	ssyncadd.s32 $0xFFFF6400  }
0x16: {  	[tilespmem:s6], [sflag:$0x2] =	stream.linear.gather @!p0 [hbm4b:s3+s5], $0x400, $0x38;
	[tilespmem:$0x14780] =	vst v63  }
0x17: {  	s4 =	sshrl.u32 s4, $0x2;
	s5 =	sshrl.u32 s24, $0x2;
	_ =	swait.ge @!p0 [sflag:s7], $0x400  }
0x18: {  	s4 =	sadd.s32 s4, s0;
	s8 =	sadd.s32 s5, s0;
	[sflag:s7] =	ssyncset.done @!p0 $0x0  }
0x19: {  	s0 =	sadd.s32 s2, s28;
	[sflag:s7] =	ssyncadd.s32 @!p0 $0xFFFFFC00;
	s7 =	simm.s32 @!p0 $0x5000  }
0x1a: {  	s2 =	simm.s32 $0x1;
	s7 =	simm.s32 @p0 $0x4E00;
	p0 =	por $0x0, $0x0  }
0x1b: {  	s2 =	simm.s32 @!p0 $0x0  }
0x1c: {  	s26 =	sadd.s32 s25, s10;
	s2 =	sshll.u32 s2, $0x6  }
0x1d: {  	[dreg:$0x17] =	wrdreg s26;
	s2 =	sadd.s32 $0x0, s2  }
0x1e: {  	[dreg:$0x13] =	wrdreg s0;
	s31 =	sor.u32 $0x90, s2  }
0x1f: {  	s29 =	sor.u32 $0xB0, s2;
	s30 =	sor.u32 $0x80, s2;
	s2 =	sor.u32 $0xA0, s2;
	v2 =	vld [tilespmem:s31+$0x0]  }
0x20: {  	p2 =	sgt.u32 s7, $0x40;
	v3 =	vld [tilespmem:s2+$0x0]  }
.Ltmp1:
0x21: {  	_ = 	snop;
	(pc) =	sbr.rel @!p2 .LBB2_3-.Ltmp1, $3  }
0x22: {  	_ =	sdelay $0x1  }
0x23: {  	s3 =	sand.u32 $0x380, s23;
	v1 =	vld [tilespmem:s29+$0x0]  }
0x24: {  	v0 =	vimm.f32 $1.000000000e+00;
	s9 =	sadd.s32 s3, s4;
	s0 =	simm.s32 $0xA000;
	p1 =	por !p0, !p0;
	v5 =	vld [tilespmem:s30+$0x0]  }
0x25: {  	_ =	sdelay $0x3  }
0x26: {  	s1 =	simm.s32 @!p1 $0x0  }
0x27: {  	s1 =	sshll.u32 s1, $0x6  }
0x28: {  	s1 =	sadd.s32 $0x80, s1  }
0x29: {  	p2 =	sgt.u32 s7, $0x80;
	s2 =	sor.u32 $0xB0, s1;
	[tilespmem:v1+s0+$0x0] =	vst.idx.add.f32.msk $0xffff, v0  }
.Ltmp2:
0x2a: {  	s3 =	sor.u32 $0x80, s1;
	v1 =	vld [tilespmem:s2+$0x0];
	(pc) =	sbr.rel @!p2 .LBB2_5-.Ltmp2, $4  }
0x2b: {  	s30 =	sor.u32 $0x90, s1;
	v7 =	vld [tilespmem:s3+$0x0]  }
0x2c: {  	s31 =	sor.u32 $0xA0, s1;
	v6 =	vld [tilespmem:s30+$0x0]  }
0x2d: {  	p1 =	por !p1, !p1;
	v4 =	vld [tilespmem:s31+$0x0]  }
0x2e: {  	p0 =	por $0x1, $0x1;
	s1 =	simm.s32 $0x80;
	s2 =	simm.s32 $0x80;
	[tilespmem:v5+s0+$0x0] =	vst.idx.add.f32.msk $0xffff, v0  }
.LBB2_6:
0x2f: {  	s3 =	simm.s32 $0x1  }
0x30: {  	s1 =	sadd.s32 $0x40, s1;
	[tilespmem:v2+s0+$0x0] =	vst.idx.add.f32.msk $0xffff, v0;
	s3 =	simm.s32 @!p1 $0x0  }
0x31: {  	s2 =	sadd.s32 $0x80, s2;
	p2 =	slt.u32 s1, s7;
	v5 =	vmov v7;
	s3 =	sshll.u32 s3, $0x6;
	[tilespmem:v3+s0+$0x0] =	vst.idx.add.f32.msk $0xffff, v0  }
0x32: {  	v2 =	vmov v6;
	s3 =	sadd.s32 s3, s2  }
0x33: {  	v3 =	vmov v4;
	s4 =	sor.u32 $0x80, s3;
	s5 =	sor.u32 $0x90, s3;
	s6 =	sor.u32 $0xB0, s3;
	[tilespmem:v1+s0+$0x0] =	vst.idx.add.f32.msk $0xffff, v0  }
.Ltmp3:
0x34: {  	s3 =	sor.u32 $0xA0, s3;
	v1 =	vld [tilespmem:s6+$0x0];
	(pc) =	sbr.rel @p2 .LBB2_6-.Ltmp3, $4  }
0x35: {  	v7 =	vld [tilespmem:s4+$0x0]  }
0x36: {  	v6 =	vld [tilespmem:s5+$0x0]  }
0x37: {  	v4 =	vld [tilespmem:s3+$0x0]  }
0x38: {  	p1 =	por !p1, !p1;
	[tilespmem:v5+s0+$0x0] =	vst.idx.add.f32.msk $0xffff, v0  }
0x39: {  	_ =	sdelay $0x2  }
0x3a: {  	v8 =	vmovc v2;
	v9 =	vmovc v3;
	v5 =	vmov v7;
	v2 =	vmov v6;
	v3 =	vmov v4  }
.LBB2_8:
0x3b: {  	_ =	sdelay $0x3  }
0x3c: {  	[tilespmem:v8+s0+$0x0] =	vst.idx.add.f32.msk @p0 $0xffff, v0  }
0x3d: {  	[tilespmem:v9+s0+$0x0] =	vst.idx.add.f32.msk @p0 $0xffff, v0  }
0x3e: {  	[tilespmem:v1+s0+$0x0] =	vst.idx.add.f32.msk $0xffff, v0  }
0x3f: {  	[tilespmem:v5+s0+$0x0] =	vst.idx.add.f32.msk $0xffff, v0  }
0x40: {  	[tilespmem:v2+s0+$0x0] =	vst.idx.add.f32.msk $0xffff, v0  }
0x41: {  	[tilespmem:v3+s0+$0x0] =	vst.idx.add.f32.msk $0xffff, v0  }
0x42: {  	s19 =	simm.s32 $0x80;
	s1 =	simm.s32 $0x400;
	[dreg:$0x16] =	wrdreg s7  }
0x43: {  	s2 =	simm.s32 $0xA000;
	s20 =	simm.s32 $0x2;
	[dreg:$0x15] =	wrdreg s9  }
0x44: {  	[spmem:s9] =	stream.strided.scatter [tilespmem:s2], [sflag:$0x2], $0x2800, s1, s19, $0x38;
	[tilespmem:$0x14780] =	vst v63  }
0x45: {  	_ =	swait.ge [sflag:s20], $0x2800  }
0x46: {  	[sflag:s20] =	ssyncset.done $0x0  }
0x47: {  	s21 =	simm.s32 $0x1400;
	[sflag:s20] =	ssyncadd.s32 $0xFFFFD800  }
0x48: {  	s22 =	simm.s32 $0x14000;
	s3 =	simm.s32 $0xF500;
	[bflag:$0x0] =	sbarrier.arrive $0xFFFF  }
0x49: {  	s23 =	simm.s32 $0x0;
	s17 =	simm.s32 $0x0;
	[dreg:$0x14] =	wrdreg s8  }
0x4a: {  	[tilespmem:s3], [sflag:$0x2] =	stream.strided.gather [spmem:s8], $0x2800, s22, s21, $0x38;
	[tilespmem:$0x14780] =	vst v63  }
0x4b: {  	s0 =	sand.u32 $0x40, s17;
	s1 =	sand.u32 $0x1C00, s23;
	_ =	swait.ge [sflag:s20], $0x2800  }
0x4c: {  	s24 =	sadd.s32 $0xF500, s1;
	s16 =	sor.u32 $0x30, s0;
	[sflag:s20] =	ssyncset.done $0x0  }
0x4d: {  	s25 =	sor.u32 s16, s24;
	[sflag:s20] =	ssyncadd.s32 $0xFFFFD800  }
0x4e: {  	s14 =	sor.u32 $0x10, s0;
	v0 =	vld [tilespmem:s25+$0x0]  }
0x4f: {  	s5 =	sor.u32 s14, s24;
	v1 =	vld [tilespmem:s25+$0x80]  }
0x50: {  	v2 =	vld [tilespmem:s5+$0x0]  }
0x51: {  	v3 =	vld [tilespmem:s25+$0x100]  }
0x52: {  	s15 =	sor.u32 $0x20, s0;
	v4 =	vld [tilespmem:s5+$0x80]  }
0x53: {  	s6 =	sor.u32 s15, s24;
	v5 =	vld [tilespmem:s25+$0x180]  }
0x54: {  	v6 =	vld [tilespmem:s6+$0x0]  }
0x55: {  	v7 =	vld [tilespmem:s25+$0x200]  }
0x56: {  	v8 =	vld [tilespmem:s6+$0x80]  }
0x57: {  	s26 =	sor.u32 s0, s24;
	v9 =	vld [tilespmem:s25+$0x280]  }
0x58: {  	v10 =	vld [tilespmem:s26+$0x0]  }
0x59: {  	v11 =	vld [tilespmem:s25+$0x300]  }
0x5a: {  	v12 =	vld [tilespmem:s26+$0x80]  }
0x5b: {  	s29 =	sadd.s32 $0x10900, s1;
	v13 =	vld [tilespmem:s25+$0x380]  }
0x5c: {  	s30 =	sor.u32 s16, s29;
	v14 =	vld [tilespmem:s5+$0x100]  }
0x5d: {  	s31 =	sadd.s32 $0x10980, s1;
	v15 =	vld [tilespmem:s30+$0x0]  }
0x5e: {  	s13 =	sor.u32 s16, s31;
	v16 =	vld [tilespmem:s6+$0x100]  }
0x5f: {  	s10 =	sadd.s32 $0x10A00, s1;
	v17 =	vld [tilespmem:s13+$0x0]  }
0x60: {  	s18 =	sor.u32 s16, s10;
	v18 =	vld [tilespmem:s26+$0x100]  }
0x61: {  	s11 =	sadd.s32 $0x10A80, s1;
	v19 =	vld [tilespmem:s18+$0x0]  }
0x62: {  	s19 =	sor.u32 s16, s11;
	v20 =	vld [tilespmem:s5+$0x180]  }
0x63: {  	s4 =	sadd.s32 $0x10B00, s1;
	v21 =	vld [tilespmem:s19+$0x0]  }
0x64: {  	s20 =	sor.u32 s16, s4;
	v22 =	vld [tilespmem:s6+$0x180]  }
0x65: {  	s3 =	sadd.s32 $0x10B80, s1;
	v23 =	vld [tilespmem:s20+$0x0]  }
0x66: {  	s12 =	sor.u32 s16, s3;
	v24 =	vld [tilespmem:s26+$0x180]  }
0x67: {  	s2 =	sadd.s32 $0x10C00, s1;
	v25 =	vld [tilespmem:s12+$0x0]  }
0x68: {  	s21 =	sor.u32 s16, s2;
	v26 =	vld [tilespmem:s5+$0x200]  }
0x69: {  	s1 =	sadd.s32 $0x10C80, s1;
	v27 =	vld [tilespmem:s21+$0x0]  }
0x6a: {  	s22 =	sor.u32 s16, s1;
	v28 =	vld [tilespmem:s6+$0x200]  }
0x6b: {  	v29 =	vld [tilespmem:s22+$0x0]  }
0x6c: {  	v30 =	vld [tilespmem:s26+$0x200]  }
0x6d: {  	v31 =	vld [tilespmem:s5+$0x280]  }
0x6e: {  	v32 =	vld [tilespmem:s6+$0x280]  }
0x6f: {  	v33 =	vld [tilespmem:s26+$0x280]  }
0x70: {  	v34 =	vld [tilespmem:s5+$0x300]  }
0x71: {  	v35 =	vld [tilespmem:s6+$0x300]  }
0x72: {  	v36 =	vld [tilespmem:s26+$0x300]  }
0x73: {  	s23 =	sor.u32 s14, s29;
	v37 =	vld [tilespmem:s6+$0x380]  }
0x74: {  	s8 =	sor.u32 s0, s10;
	v38 =	vld [tilespmem:s23+$0x0]  }
0x75: {  	s9 =	sor.u32 s14, s11;
	v42 =	vld [tilespmem:s8+$0x0]  }
0x76: {  	s25 =	sor.u32 s0, s29;
	v55 =	vld [tilespmem:s9+$0x0]  }
0x77: {  	s24 =	sor.u32 s15, s29;
	s29 =	sor.u32 s15, s31;
	v39 =	vld [tilespmem:s25+$0x0]  }
0x78: {  	s12 =	sor.u32 s0, s11;
	v40 =	vld [tilespmem:s29+$0x0]  }
0x79: {  	s13 =	sor.u32 s14, s4;
	v56 =	vld [tilespmem:s12+$0x0]  }
0x7a: {  	s18 =	sor.u32 s15, s4;
	v44 =	vld [tilespmem:s13+$0x0]  }
0x7b: {  	s19 =	sor.u32 s14, s3;
	v57 =	vld [tilespmem:s18+$0x0]  }
0x7c: {  	s20 =	sor.u32 s15, s3;
	v58 =	vld [tilespmem:s19+$0x0]  }
0x7d: {  	s21 =	sor.u32 s14, s2;
	v59 =	vld [tilespmem:s20+$0x0]  }
0x7e: {  	s22 =	sor.u32 s15, s2;
	v60 =	vld [tilespmem:s21+$0x0]  }
0x7f: {  	s2 =	sor.u32 s0, s2;
	v61 =	vld [tilespmem:s22+$0x0]  }
0x80: {  	s23 =	sor.u32 s14, s1;
	v62 =	vld [tilespmem:s2+$0x0];
	v0 =	vadd.f32 v1, v0;
	v2 =	vadd.f32 v4, v2  }
0x81: {  	v63 =	vld [tilespmem:s23+$0x0];
	v10 =	vadd.f32 v12, v10;
	v6 =	vadd.f32 v8, v6  }
0x82: {  	s4 =	sor.u32 s0, s4;
	v1 =	vld [tilespmem:s5+$0x380];
	v0 =	vadd.f32 v3, v0;
	v2 =	vadd.f32 v14, v2  }
0x83: {  	s3 =	sor.u32 s0, s3;
	v4 =	vld [tilespmem:s4+$0x0];
	v10 =	vadd.f32 v18, v10;
	v6 =	vadd.f32 v16, v6  }
0x84: {  	s28 =	simm.s32 $0x40;
	s7 =	sor.u32 s15, s10;
	s30 =	sor.u32 s0, s31;
	v8 =	vld [tilespmem:s3+$0x0];
	v0 =	vadd.f32 v5, v0;
	v2 =	vadd.f32 v20, v2  }
0x85: {  	s6 =	simm.s32 $0x200;
	v3 =	vld [tilespmem:s26+$0x380];
	s26 =	sor.u32 s14, s31;
	s31 =	sor.u32 s14, s10;
	v10 =	vadd.f32 v24, v10;
	v6 =	vadd.f32 v22, v6  }
0x86: {  	s18 =	sand.u32 $0x40, s28;
	s25 =	sand.u32 $0x1C00, s6;
	s10 =	sor.u32 s15, s11;
	v41 =	vld [tilespmem:s31+$0x0];
	v0 =	vadd.f32 v7, v0;
	v2 =	vadd.f32 v26, v2  }
0x87: {  	s19 =	sadd.s32 $0x10C00, s25;
	v43 =	vld [tilespmem:s10+$0x0];
	s10 =	sor.u32 $0x30, s18;
	v10 =	vadd.f32 v30, v10;
	v6 =	vadd.f32 v28, v6  }
0x88: {  	v5 =	vld [tilespmem:s24+$0x0];
	s13 =	sor.u32 s10, s19;
	v0 =	vadd.f32 v9, v0;
	v2 =	vadd.f32 v31, v2  }
0x89: {  	v48 =	vld [tilespmem:s13+$0x0];
	v10 =	vadd.f32 v33, v10;
	v6 =	vadd.f32 v32, v6  }
0x8a: {  	s2 =	sadd.s32 $0xF500, s25;
	s9 =	sor.u32 $0x10, s18;
	v7 =	vld [tilespmem:s26+$0x0];
	v0 =	vadd.f32 v11, v0;
	v2 =	vadd.f32 v34, v2  }
0x8b: {  	s29 =	sor.u32 s9, s2;
	v9 =	vld [tilespmem:s30+$0x0];
	v10 =	vadd.f32 v36, v10;
	v6 =	vadd.f32 v35, v6  }
0x8c: {  	v0 =	vadd.f32 v13, v0;
	v1 =	vadd.f32 v1, v2;
	v2 =	vld [tilespmem:s29+$0x0]  }
0x8d: {  	s24 =	sor.u32 s15, s1;
	v3 =	vadd.f32 v3, v10;
	v10 =	vld [tilespmem:s29+$0x80];
	v6 =	vadd.f32 v37, v6  }
0x8e: {  	v30 =	vld [tilespmem:s24+$0x0];
	v0 =	vadd.f32 v15, v0;
	v1 =	vadd.f32 v38, v1  }
0x8f: {  	s0 =	sor.u32 s0, s1;
	v11 =	vld [tilespmem:s7+$0x0];
	v3 =	vadd.f32 v39, v3;
	v5 =	vadd.f32 v5, v6  }
0x90: {  	s26 =	sor.u32 s10, s2;
	v31 =	vld [tilespmem:s0+$0x0];
	v0 =	vadd.f32 v17, v0;
	v1 =	vadd.f32 v7, v1  }
0x91: {  	v33 =	vld [tilespmem:s26+$0x0];
	v3 =	vadd.f32 v9, v3;
	v5 =	vadd.f32 v40, v5  }
0x92: {  	s23 =	sadd.s32 $0x10A80, s25;
	s22 =	sadd.s32 $0x10B00, s25;
	s21 =	sadd.s32 $0x10B80, s25;
	v34 =	vld [tilespmem:s26+$0x80];
	v2 =	vadd.f32 v10, v2;
	v0 =	vadd.f32 v19, v0  }
0x93: {  	s20 =	sadd.s32 $0x10C80, s25;
	s1 =	sadd.s32 $0x10900, s25;
	s13 =	sor.u32 $0x20, s18;
	v35 =	vld [tilespmem:s26+$0x100];
	v1 =	vadd.f32 v41, v1;
	v3 =	vadd.f32 v42, v3  }
0x94: {  	s24 =	sadd.s32 $0x10A00, s25;
	s0 =	sadd.s32 $0x10980, s25;
	s25 =	sor.u32 s13, s2;
	v41 =	vld [tilespmem:s29+$0x100];
	v5 =	vadd.f32 v11, v5;
	v0 =	vadd.f32 v21, v0  }
0x95: {  	v53 =	vld [tilespmem:s25+$0x0];
	v1 =	vadd.f32 v55, v1;
	v3 =	vadd.f32 v56, v3  }
0x96: {  	v38 =	vld [tilespmem:s26+$0x180];
	v5 =	vadd.f32 v43, v5;
	v0 =	vadd.f32 v23, v0  }
0x97: {  	v55 =	vld [tilespmem:s25+$0x80];
	v23 =	vadd.f32 v34, v33;
	v1 =	vadd.f32 v44, v1  }
0x98: {  	v7 =	vld [tilespmem:s26+$0x200];
	v3 =	vadd.f32 v4, v3;
	v5 =	vadd.f32 v57, v5  }
0x99: {  	v46 =	vld [tilespmem:s29+$0x180];
	v2 =	vadd.f32 v41, v2;
	v23 =	vadd.f32 v35, v23  }
0x9a: {  	v39 =	vld [tilespmem:s26+$0x280];
	v0 =	vadd.f32 v25, v0;
	v1 =	vadd.f32 v58, v1  }
0x9b: {  	v3 =	vadd.f32 v8, v3;
	v23 =	vadd.f32 v38, v23  }
0x9c: {  	v9 =	vld [tilespmem:s26+$0x300];
	v5 =	vadd.f32 v59, v5;
	v17 =	vadd.f32 v55, v53  }
0x9d: {  	v51 =	vld [tilespmem:s29+$0x280];
	v0 =	vadd.f32 v27, v0;
	v7 =	vadd.f32 v7, v23  }
0x9e: {  	s30 =	sor.u32 s10, s1;
	v40 =	vld [tilespmem:s26+$0x380];
	v2 =	vadd.f32 v46, v2;
	v1 =	vadd.f32 v60, v1  }
0x9f: {  	s2 =	sor.u32 s18, s2;
	v42 =	vld [tilespmem:s30+$0x0];
	v0 =	vadd.f32 v29, v0;
	v4 =	vadd.f32 v39, v7  }
0xa0: {  	v58 =	vld [tilespmem:s2+$0x0];
	v3 =	vadd.f32 v62, v3;
	v5 =	vadd.f32 v61, v5  }
0xa1: {  	s31 =	sor.u32 s10, s0;
	v60 =	vld [tilespmem:s2+$0x80];
	v0 =	vadd.f32 $1.000000000e+00, v0;
	v4 =	vadd.f32 v9, v4  }
0xa2: {  	s7 =	sor.u32 s10, s24;
	v11 =	vld [tilespmem:s31+$0x0];
	v1 =	vadd.f32 v63, v1;
	v3 =	vadd.f32 v31, v3  }
0xa3: {  	v45 =	vld [tilespmem:s7+$0x0];
	v36 =	vshra.s32 v0, $0x1;
	v0 =	vmul.f32 $5.000000000e-01, v0;
	v4 =	vadd.f32 v40, v4  }
0xa4: {  	v10 =	vld [tilespmem:s25+$0x180];
	v5 =	vadd.f32 v30, v5;
	v1 =	vadd.f32 $1.000000000e+00, v1;
	v26 =	vsub.s32 $0x5F3759DF, v36  }
0xa5: {  	s8 =	sor.u32 s10, s23;
	v62 =	vld [tilespmem:s25+$0x100];
	v3 =	vadd.f32 $1.000000000e+00, v3;
	v6 =	vmul.f32 v26, v0;
	v4 =	vadd.f32 v42, v4  }
0xa6: {  	v7 =	vld [tilespmem:s8+$0x0];
	v5 =	vadd.f32 $1.000000000e+00, v5;
	v34 =	vadd.f32 v60, v58  }
0xa7: {  	s11 =	sor.u32 s10, s22;
	v31 =	vld [tilespmem:s2+$0x100];
	v52 =	vshra.s32 v1, $0x1;
	v6 =	vmul.f32 v26, v6;
	v4 =	vadd.f32 v11, v4  }
0xa8: {  	v47 =	vld [tilespmem:s11+$0x0];
	v1 =	vmul.f32 $5.000000000e-01, v1;
	v56 =	vshra.s32 v3, $0x1;
	v3 =	vmul.f32 $5.000000000e-01, v3  }
0xa9: {  	s12 =	sor.u32 s10, s21;
	v9 =	vld [tilespmem:s29+$0x200];
	v20 =	vsub.s32 $0x5F3759DF, v52;
	v6 =	vsub.f32 $1.500000000e+00, v6;
	v4 =	vadd.f32 v45, v4  }
0xaa: {  	v8 =	vld [tilespmem:s12+$0x0];
	v17 =	vadd.f32 v62, v17;
	v25 =	vsub.s32 $0x5F3759DF, v56;
	v54 =	vmul.f32 v20, v1  }
0xab: {  	v36 =	vld [tilespmem:s25+$0x200];
	v59 =	vmul.f32 v25, v3;
	v6 =	vmul.f32 v26, v6;
	v4 =	vadd.f32 v7, v4  }
0xac: {  	v21 =	vld [tilespmem:s29+$0x300];
	v14 =	vadd.f32 v31, v34;
	v10 =	vadd.f32 v10, v17;
	v23 =	vmul.f32 v20, v54  }
0xad: {  	s3 =	sor.u32 s10, s20;
	v39 =	vld [tilespmem:s25+$0x280];
	v27 =	vmul.f32 v25, v59;
	v50 =	vmul.f32 v6, v0;
	v4 =	vadd.f32 v47, v4  }
0xae: {  	v49 =	vld [tilespmem:s3+$0x0];
	v57 =	vshra.s32 v5, $0x1;
	v2 =	vadd.f32 v9, v2;
	v61 =	vsub.f32 $1.500000000e+00, v23  }
0xaf: {  	v40 =	vld [tilespmem:s25+$0x300];
	v33 =	vsub.f32 $1.500000000e+00, v27;
	v11 =	vmul.f32 v50, v6;
	v4 =	vadd.f32 v8, v4  }
0xb0: {  	v22 =	vld [tilespmem:s29+$0x380];
	v5 =	vmul.f32 $5.000000000e-01, v5;
	v10 =	vadd.f32 v36, v10;
	v2 =	vadd.f32 v51, v2  }
0xb1: {  	v7 =	vsub.f32 $1.500000000e+00, v11;
	v11 =	vsub.s32 $0x5F3759DF, v57;
	v4 =	vadd.f32 v48, v4  }
0xb2: {  	v10 =	vadd.f32 v39, v10;
	v2 =	vadd.f32 v21, v2;
	v8 =	vld [tilespmem:s2+$0x180];
	v63 =	vmul.f32 v11, v5  }
0xb3: {  	v37 =	vld [tilespmem:s2+$0x200];
	v6 =	vmul.f32 v7, v6;
	v7 =	vmul.f32 v20, v61;
	v4 =	vadd.f32 v49, v4  }
0xb4: {  	v41 =	vld [tilespmem:s25+$0x380];
	v10 =	vadd.f32 v40, v10;
	v20 =	vmul.f32 v25, v33;
	v32 =	vmul.f32 v11, v63  }
0xb5: {  	s31 =	sor.u32 s13, s0;
	v44 =	vld [tilespmem:s2+$0x280];
	v2 =	vadd.f32 v22, v2;
	v35 =	vmul.f32 v7, v1;
	v4 =	vadd.f32 $1.000000000e+00, v4  }
0xb6: {  	v53 =	vld [tilespmem:s31+$0x0];
	s8 =	sor.u32 s18, s23;
	v42 =	vmul.f32 v20, v3;
	v0 =	vmul.f32 v6, v0;
	v15 =	vsub.f32 $1.500000000e+00, v32  }
0xb7: {  	s30 =	sor.u32 s9, s0;
	v60 =	vld [tilespmem:s8+$0x0];
	v8 =	vadd.f32 v8, v14;
	v46 =	vshra.s32 v4, $0x1;
	v47 =	vmul.f32 $5.000000000e-01, v4  }
0xb8: {  	s29 =	sor.u32 s13, s1;
	v52 =	vld [tilespmem:s30+$0x0];
	v38 =	vmul.f32 v35, v7;
	v24 =	vmul.f32 v42, v20;
	v48 =	vsub.s32 $0x5F3759DF, v46  }
0xb9: {  	v10 =	vadd.f32 v41, v10;
	v49 =	vld [tilespmem:s29+$0x0];
	v11 =	vmul.f32 v11, v15;
	v50 =	vmul.f32 v48, v47  }
0xba: {  	s3 =	sor.u32 s13, s24;
	v9 =	vld [tilespmem:s2+$0x300];
	v0 =	vmul.f32 v0, v6;
	v8 =	vadd.f32 v37, v8;
	v13 =	vsub.f32 $1.500000000e+00, v38  }
0xbb: {  	v56 =	vld [tilespmem:s3+$0x0];
	v54 =	vsub.f32 $1.500000000e+00, v24;
	v43 =	vmul.f32 v11, v5;
	v18 =	vmul.f32 v48, v50  }
0xbc: {  	s26 =	sor.u32 s9, s1;
	v45 =	vld [tilespmem:s2+$0x380];
	v0 =	vsub.f32 $1.500000000e+00, v0;
	v8 =	vadd.f32 v44, v8  }
0xbd: {  	s1 =	sor.u32 s18, s1;
	v4 =	vld [tilespmem:s26+$0x0];
	v7 =	vmul.f32 v13, v7;
	v19 =	vmul.f32 v43, v11;
	v18 =	vsub.f32 $1.500000000e+00, v18  }
0xbe: {  	s7 =	sor.u32 s13, s23;
	v51 =	vld [tilespmem:s1+$0x0];
	v10 =	vadd.f32 v49, v10;
	v15 =	vmul.f32 v54, v20;
	v6 =	vmul.f32 v0, v6  }
0xbf: {  	s0 =	sor.u32 s18, s0;
	v59 =	vld [tilespmem:s7+$0x0];
	v8 =	vadd.f32 v9, v8;
	v19 =	vsub.f32 $1.500000000e+00, v19;
	v12 =	vmul.f32 v48, v18  }
0xc0: {  	s2 =	sor.u32 s9, s24;
	v9 =	vld [tilespmem:s0+$0x0];
	v10 =	vadd.f32 v53, v10;
	v1 =	vmul.f32 v7, v1;
	v3 =	vmul.f32 v15, v3  }
0xc1: {  	s4 =	sor.u32 s18, s24;
	v55 =	vld [tilespmem:s2+$0x0];
	v8 =	vadd.f32 v45, v8;
	v11 =	vmul.f32 v19, v11;
	v58 =	vmul.f32 v12, v47  }
0xc2: {  	s5 =	sor.u32 s9, s23;
	v57 =	vld [tilespmem:s4+$0x0];
	v2 =	vadd.f32 v4, v2;
	v10 =	vadd.f32 v56, v10;
	v1 =	vmul.f32 v1, v7  }
0xc3: {  	s12 =	sor.u32 s13, s22;
	v4 =	vld [tilespmem:s5+$0x0];
	v8 =	vadd.f32 v51, v8;
	v5 =	vmul.f32 v11, v5;
	v14 =	vmul.f32 v58, v12  }
0xc4: {  	s17 =	sand.u32 $0x380, s17;
	s11 =	sor.u32 s9, s22;
	v62 =	vld [tilespmem:s12+$0x0];
	v3 =	vmul.f32 v3, v15;
	v2 =	vadd.f32 v52, v2;
	v1 =	vsub.f32 $1.500000000e+00, v1  }
0xc5: {  	s22 =	sor.u32 s18, s22;
	v61 =	vld [tilespmem:s11+$0x0];
	s0 =	sor.u32 $0xF000, s17;
	v8 =	vadd.f32 v9, v8;
	v5 =	vmul.f32 v5, v11;
	v0 =	vsub.f32 $1.500000000e+00, v14  }
0xc6: {  	s23 =	sor.u32 s9, s21;
	s24 =	sor.u32 s16, s0;
	v63 =	vsub.f32 $1.500000000e+00, v3;
	v9 =	vadd.f32 v55, v2;
	v1 =	vmul.f32 v1, v7;
	v7 =	vld [tilespmem:s22+$0x0]  }
0xc7: {  	s25 =	sor.u32 s13, s21;
	s26 =	sor.u32 s14, s0;
	[tilespmem:s24+$0x0] =	vst v6;
	v3 =	vld [tilespmem:s23+$0x0];
	v8 =	vadd.f32 v57, v8;
	v5 =	vsub.f32 $1.500000000e+00, v5;
	v0 =	vmul.f32 v0, v12  }
0xc8: {  	s29 =	sor.u32 s18, s21;
	v2 =	vld [tilespmem:s25+$0x0];
	v6 =	vmul.f32 v63, v15;
	v9 =	vadd.f32 v4, v9;
	[tilespmem:s26+$0x0] =	vst v1;
	v1 =	vadd.f32 v59, v10  }
0xc9: {  	s31 =	sor.u32 s13, s19;
	s30 =	sor.u32 s9, s19;
	v4 =	vld [tilespmem:s29+$0x0];
	s26 =	simm.s32 $0xF000;
	v10 =	vadd.f32 v60, v8;
	v5 =	vmul.f32 v5, v11;
	v11 =	vmul.f32 v0, v47  }
0xca: {  	s1 =	simm.s32 $0x40;
	s2 =	sor.u32 s9, s20;
	s0 =	sor.u32 s15, s0;
	v9 =	vadd.f32 v61, v9;
	[tilespmem:s26+$0x0] =	vst v6;
	v6 =	vld [tilespmem:s31+$0x0]  }
0xcb: {  	s24 =	sor.u32 s13, s20;
	s23 =	sor.u32 s18, s20;
	v8 =	vadd.f32 v62, v1;
	v7 =	vadd.f32 v7, v10;
	[tilespmem:s0+$0x0] =	vst v5;
	s0 =	sor.u32 s18, s19;
	v5 =	vld [tilespmem:s30+$0x0];
	v1 =	vmul.f32 v11, v0  }
.LBB2_9:
0xcc: {  	_ = 	snop  }
0xcd: {  	v1 =	vsub.f32 $1.500000000e+00, v1  }
0xce: {  	s28 =	sadd.s32 $0x40, s28;
	v10 =	vld [tilespmem:s0+$0x0];
	s6 =	sadd.s32 $0x200, s6  }
0xcf: {  	s11 =	sand.u32 $0x380, s1;
	s18 =	sand.u32 $0x40, s28;
	s21 =	sand.u32 $0x1C00, s6;
	v0 =	vmul.f32 v1, v0;
	v1 =	vld [tilespmem:s23+$0x0]  }
0xd0: {  	s3 =	sor.u32 $0xF000, s11;
	s12 =	sadd.s32 $0xF500, s21;
	s14 =	sor.u32 $0x30, s18;
	v3 =	vadd.f32 v3, v9;
	v9 =	vld [tilespmem:s2+$0x0]  }
0xd1: {  	s5 =	sor.u32 s10, s3;
	s19 =	sor.u32 s14, s12;
	v4 =	vadd.f32 v4, v7;
	v7 =	vld [tilespmem:s24+$0x0]  }
0xd2: {  	s20 =	sor.u32 $0x20, s18;
	v2 =	vadd.f32 v2, v8;
	v3 =	vadd.f32 v5, v3;
	v5 =	vld [tilespmem:s19+$0x0];
	[tilespmem:s5+$0x0] =	vst v0  }
0xd3: {  	s17 =	sor.u32 s20, s12;
	v0 =	vld [tilespmem:s19+$0x80]  }
0xd4: {  	s4 =	sor.u32 $0x10, s18;
	v12 =	vld [tilespmem:s17+$0x80];
	v2 =	vadd.f32 v6, v2  }
0xd5: {  	s16 =	sor.u32 s4, s12;
	v4 =	vadd.f32 v10, v4;
	v8 =	vld [tilespmem:s19+$0x100];
	v3 =	vadd.f32 v9, v3  }
0xd6: {  	v6 =	vld [tilespmem:s16+$0x0];
	v2 =	vadd.f32 v7, v2  }
0xd7: {  	v1 =	vadd.f32 v1, v4;
	v7 =	vld [tilespmem:s16+$0x80];
	v3 =	vadd.f32 $1.000000000e+00, v3  }
0xd8: {  	s15 =	sor.u32 s18, s12;
	v4 =	vld [tilespmem:s19+$0x180];
	v2 =	vadd.f32 $1.000000000e+00, v2;
	v0 =	vadd.f32 v0, v5  }
0xd9: {  	v13 =	vld [tilespmem:s15+$0x0];
	v1 =	vadd.f32 $1.000000000e+00, v1;
	v5 =	vshra.s32 v3, $0x1;
	v3 =	vmul.f32 $5.000000000e-01, v3  }
0xda: {  	v10 =	vld [tilespmem:s19+$0x200];
	v11 =	vshra.s32 v2, $0x1;
	v2 =	vmul.f32 $5.000000000e-01, v2;
	v0 =	vadd.f32 v8, v0  }
0xdb: {  	v17 =	vld [tilespmem:s15+$0x80];
	v8 =	vshra.s32 v1, $0x1;
	v1 =	vmul.f32 $5.000000000e-01, v1;
	v11 =	vsub.s32 $0x5F3759DF, v11  }
0xdc: {  	v6 =	vadd.f32 v7, v6;
	v7 =	vld [tilespmem:s19+$0x280];
	v5 =	vsub.s32 $0x5F3759DF, v5;
	v16 =	vmul.f32 v11, v2  }
0xdd: {  	v9 =	vld [tilespmem:s17+$0x0];
	v0 =	vadd.f32 v4, v0;
	v4 =	vsub.s32 $0x5F3759DF, v8;
	v8 =	vmul.f32 v5, v3  }
0xde: {  	v14 =	vld [tilespmem:s19+$0x300];
	v15 =	vmul.f32 v4, v1;
	v45 =	vmul.f32 v11, v16  }
0xdf: {  	v46 =	vld [tilespmem:s16+$0x100];
	v0 =	vadd.f32 v10, v0;
	v8 =	vmul.f32 v5, v8  }
0xe0: {  	s25 =	sadd.s32 $0x10900, s21;
	s10 =	smov.u32 s14;
	v10 =	vld [tilespmem:s19+$0x380];
	v44 =	vmul.f32 v4, v15;
	v15 =	vsub.f32 $1.500000000e+00, v45  }
0xe1: {  	s31 =	sor.u32 s10, s25;
	v18 =	vld [tilespmem:s17+$0x100];
	v0 =	vadd.f32 v7, v0;
	v7 =	vsub.f32 $1.500000000e+00, v8  }
0xe2: {  	s2 =	sadd.s32 $0x10980, s21;
	v9 =	vadd.f32 v12, v9;
	v8 =	vld [tilespmem:s31+$0x0];
	v12 =	vsub.f32 $1.500000000e+00, v44;
	v11 =	vmul.f32 v11, v15  }
0xe3: {  	s22 =	sor.u32 s9, s3;
	s9 =	smov.u32 s4;
	v48 =	vld [tilespmem:s15+$0x100];
	s4 =	sor.u32 s10, s2;
	v0 =	vadd.f32 v14, v0;
	v5 =	vmul.f32 v5, v7  }
0xe4: {  	s5 =	sadd.s32 $0x10A00, s21;
	v47 =	vld [tilespmem:s4+$0x0];
	v4 =	vmul.f32 v4, v12;
	v51 =	vmul.f32 v11, v2  }
0xe5: {  	[dreg:$0x5] =	wrdreg s6;
	v52 =	vld [tilespmem:s16+$0x180];
	s6 =	sor.u32 s10, s5;
	v0 =	vadd.f32 v10, v0;
	v10 =	vmul.f32 v5, v3  }
0xe6: {  	s8 =	sadd.s32 $0x10A80, s21;
	v49 =	vld [tilespmem:s6+$0x0];
	v50 =	vmul.f32 v4, v1;
	v16 =	vmul.f32 v51, v11  }
0xe7: {  	s11 =	sor.u32 s10, s8;
	v53 =	vld [tilespmem:s17+$0x180];
	v0 =	vadd.f32 v8, v0;
	v8 =	vmul.f32 v10, v5  }
0xe8: {  	s12 =	sadd.s32 $0x10B00, s21;
	v10 =	vld [tilespmem:s11+$0x0];
	v15 =	vmul.f32 v50, v4;
	v55 =	vsub.f32 $1.500000000e+00, v16  }
0xe9: {  	s14 =	sor.u32 s10, s12;
	v56 =	vld [tilespmem:s15+$0x180];
	v0 =	vadd.f32 v47, v0;
	v8 =	vsub.f32 $1.500000000e+00, v8  }
0xea: {  	s23 =	sor.u32 s13, s3;
	s13 =	smov.u32 s20;
	s20 =	sadd.s32 $0x10B80, s21;
	v54 =	vld [tilespmem:s14+$0x0];
	v57 =	vsub.f32 $1.500000000e+00, v15;
	v11 =	vmul.f32 v55, v11  }
0xeb: {  	[dreg:$0x7] =	wrdreg s23;
	s24 =	smov.u32 s28;
	s23 =	sor.u32 s10, s20;
	v58 =	vld [tilespmem:s16+$0x200];
	v0 =	vadd.f32 v49, v0;
	v5 =	vmul.f32 v8, v5  }
0xec: {  	[dreg:$0x6] =	wrdreg s24;
	s24 =	sadd.s32 $0x10C00, s21;
	v8 =	vld [tilespmem:s23+$0x0];
	v4 =	vmul.f32 v57, v4;
	v2 =	vmul.f32 v11, v2  }
0xed: {  	v59 =	vld [tilespmem:s17+$0x200];
	s11 =	sor.u32 s10, s24;
	v0 =	vadd.f32 v10, v0;
	v3 =	vmul.f32 v5, v3  }
0xee: {  	[dreg:$0x8] =	wrdreg s22;
	s1 =	sor.u32 s18, s25;
	s21 =	sadd.s32 $0x10C80, s21;
	v6 =	vadd.f32 v46, v6;
	v10 =	vld [tilespmem:s11+$0x0];
	v1 =	vmul.f32 v4, v1;
	v2 =	vmul.f32 v2, v11  }
0xef: {  	s29 =	sor.u32 s9, s25;
	[dreg:$0xa] =	wrdreg s1;
	v61 =	vld [tilespmem:s15+$0x200];
	v9 =	vadd.f32 v18, v9;
	s11 =	sor.u32 s10, s21;
	v0 =	vadd.f32 v54, v0;
	v3 =	vmul.f32 v3, v5  }
0xf0: {  	s30 =	sor.u32 s13, s25;
	[dreg:$0xc] =	wrdreg s29;
	v7 =	vadd.f32 v17, v13;
	v60 =	vld [tilespmem:s11+$0x0];
	v1 =	vmul.f32 v1, v4;
	v2 =	vsub.f32 $1.500000000e+00, v2  }
0xf1: {  	v62 =	vld [tilespmem:s17+$0x280];
	[dreg:$0x9] =	wrdreg s30;
	v0 =	vadd.f32 v8, v0;
	v3 =	vsub.f32 $1.500000000e+00, v3  }
0xf2: {  	s29 =	sor.u32 s9, s2;
	s3 =	sor.u32 s13, s2;
	s30 =	sor.u32 s18, s2;
	v7 =	vadd.f32 v48, v7;
	v8 =	vld [tilespmem:s16+$0x280];
	v1 =	vsub.f32 $1.500000000e+00, v1  }
0xf3: {  	[dreg:$0xb] =	wrdreg s3;
	s1 =	sor.u32 s9, s24;
	s3 =	sor.u32 s13, s24;
	v2 =	vmul.f32 v2, v11;
	v0 =	vadd.f32 v10, v0;
	v3 =	vmul.f32 v3, v5;
	v5 =	vld [tilespmem:s15+$0x280]  }
0xf4: {  	s0 =	sor.u32 s18, s24;
	s2 =	sor.u32 s9, s21;
	v6 =	vadd.f32 v52, v6;
	v9 =	vadd.f32 v53, v9;
	s11 =	rddreg [dreg:$0x7];
	v10 =	vld [tilespmem:s16+$0x300]  }
0xf5: {  	s24 =	sor.u32 s13, s21;
	v7 =	vadd.f32 v56, v7;
	s23 =	sor.u32 s18, s21;
	s21 =	rddreg [dreg:$0x8];
	v1 =	vmul.f32 v1, v4;
	v4 =	vld [tilespmem:s17+$0x300];
	[tilespmem:s11+$0x0] =	vst v2;
	v0 =	vadd.f32 v60, v0  }
0xf6: {  	s26 =	sadd.s32 $0x40, s26;
	v6 =	vadd.f32 v58, v6;
	v9 =	vadd.f32 v59, v9;
	v2 =	vld [tilespmem:s15+$0x300];
	[tilespmem:s21+$0x0] =	vst v3  }
0xf7: {  	s22 =	sor.u32 s13, s8;
	s7 =	sor.u32 s9, s5;
	v3 =	vadd.f32 v61, v7;
	s21 =	rddreg [dreg:$0xa];
	[tilespmem:s26+$0x0] =	vst v1;
	v1 =	vld [tilespmem:s16+$0x380];
	v0 =	vadd.f32 $1.000000000e+00, v0  }
0xf8: {  	s25 =	sor.u32 s18, s5;
	s4 =	sor.u32 s9, s8;
	s14 =	sor.u32 s13, s20;
	v7 =	vadd.f32 v62, v9;
	v6 =	vadd.f32 v8, v6;
	v11 =	vld [tilespmem:s21+$0x0]  }
0xf9: {  	s6 =	sor.u32 s18, s8;
	s8 =	sor.u32 s9, s12;
	s19 =	sor.u32 s18, s12;
	v3 =	vadd.f32 v5, v3;
	v5 =	vld [tilespmem:s17+$0x380];
	v8 =	vshra.s32 v0, $0x1;
	v9 =	vmul.f32 $5.000000000e-01, v0  }
0xfa: {  	s31 =	sor.u32 s13, s5;
	s5 =	sor.u32 s13, s12;
	s17 =	rddreg [dreg:$0xc];
	v0 =	vld [tilespmem:s15+$0x380];
	v8 =	vsub.s32 $0x5F3759DF, v8  }
0xfb: {  	s12 =	sor.u32 s9, s20;
	s20 =	sor.u32 s18, s20;
	s18 =	rddreg [dreg:$0x9];
	v6 =	vadd.f32 v10, v6;
	v10 =	vld [tilespmem:s17+$0x0];
	v4 =	vadd.f32 v4, v7;
	v7 =	vmul.f32 v8, v9  }
0xfc: {  	v2 =	vadd.f32 v2, v3;
	v3 =	vld [tilespmem:s18+$0x0]  }
0xfd: {  	v63 =	vld [tilespmem:s19+$0x0];
	v1 =	vadd.f32 v1, v6;
	v6 =	vmul.f32 v8, v7  }
0xfe: {  	v7 =	vld [tilespmem:s29+$0x0];
	v4 =	vadd.f32 v5, v4;
	s29 =	rddreg [dreg:$0xb]  }
0xff: {  	v0 =	vadd.f32 v0, v2;
	v2 =	vld [tilespmem:s29+$0x0];
	v5 =	vsub.f32 $1.500000000e+00, v6  }
0x100: {  	v6 =	vld [tilespmem:s30+$0x0]  }
0x101: {  	v1 =	vadd.f32 v10, v1;
	v10 =	vld [tilespmem:s7+$0x0];
	v3 =	vadd.f32 v3, v4;
	v4 =	vmul.f32 v8, v5  }
0x102: {  	v5 =	vld [tilespmem:s31+$0x0]  }
0x103: {  	v0 =	vadd.f32 v11, v0;
	v8 =	vld [tilespmem:s25+$0x0];
	v1 =	vadd.f32 v7, v1;
	v7 =	vmul.f32 v4, v9  }
0x104: {  	v11 =	vld [tilespmem:s4+$0x0]  }
0x105: {  	v2 =	vadd.f32 v2, v3;
	v0 =	vadd.f32 v6, v0;
	v6 =	vld [tilespmem:s22+$0x0];
	v3 =	vmul.f32 v7, v4  }
0x106: {  	v7 =	vld [tilespmem:s6+$0x0]  }
0x107: {  	v1 =	vadd.f32 v10, v1;
	v10 =	vld [tilespmem:s8+$0x0];
	v3 =	vsub.f32 $1.500000000e+00, v3  }
0x108: {  	p0 =	slt.u32 s28, $0x240;
	v2 =	vadd.f32 v5, v2;
	v5 =	vadd.f32 v8, v0;
	v8 =	vld [tilespmem:s5+$0x0]  }
.Ltmp4:
0x109: {  	v0 =	vmul.f32 v3, v4;
	v3 =	vld [tilespmem:s12+$0x0];
	(pc) =	sbr.rel @p0 .LBB2_9-.Ltmp4, $4  }
0x10a: {  	v1 =	vadd.f32 v11, v1;
	v6 =	vadd.f32 v6, v2;
	v2 =	vld [tilespmem:s14+$0x0]  }
0x10b: {  	v4 =	vld [tilespmem:s20+$0x0];
	v7 =	vadd.f32 v7, v5;
	v11 =	vmul.f32 v0, v9  }
0x10c: {  	s6 =	rddreg [dreg:$0x5];
	v5 =	vld [tilespmem:s1+$0x0];
	v9 =	vadd.f32 v10, v1  }
0x10d: {  	s1 =	rddreg [dreg:$0x6];
	v8 =	vadd.f32 v8, v6;
	v6 =	vld [tilespmem:s3+$0x0];
	v7 =	vadd.f32 v63, v7;
	v1 =	vmul.f32 v11, v0  }
0x10e: {  	v10 =	vld [tilespmem:s0+$0x0]  }
0x10f: {  	v11 =	vld [tilespmem:s2+$0x0]  }
0x110: {  	v12 =	vld [tilespmem:s24+$0x0]  }
0x111: {  	v3 =	vadd.f32 v3, v9;
	v57 =	vld [tilespmem:s23+$0x0];
	v2 =	vadd.f32 v2, v8  }
0x112: {  	v4 =	vadd.f32 v4, v7  }
0x113: {  	v3 =	vadd.f32 v5, v3;
	v2 =	vadd.f32 v6, v2  }
0x114: {  	v4 =	vadd.f32 v10, v4  }
0x115: {  	v3 =	vadd.f32 v11, v3;
	v2 =	vadd.f32 v12, v2  }
0x116: {  	v4 =	vadd.f32 v57, v4  }
0x117: {  	v3 =	vadd.f32 $1.000000000e+00, v3;
	v2 =	vadd.f32 $1.000000000e+00, v2  }
0x118: {  	v4 =	vadd.f32 $1.000000000e+00, v4  }
0x119: {  	v58 =	vshra.s32 v3, $0x1;
	v3 =	vmul.f32 $5.000000000e-01, v3;
	v59 =	vshra.s32 v2, $0x1  }
0x11a: {  	v2 =	vmul.f32 $5.000000000e-01, v2;
	v5 =	vsub.s32 $0x5F3759DF, v58;
	v60 =	vshra.s32 v4, $0x1  }
0x11b: {  	v4 =	vmul.f32 $5.000000000e-01, v4;
	v6 =	vsub.s32 $0x5F3759DF, v59;
	v61 =	vmul.f32 v5, v3  }
0x11c: {  	v7 =	vsub.s32 $0x5F3759DF, v60;
	v62 =	vmul.f32 v6, v2  }
0x11d: {  	v63 =	vmul.f32 v7, v4;
	v8 =	vmul.f32 v5, v61  }
0x11e: {  	v9 =	vmul.f32 v6, v62  }
0x11f: {  	v10 =	vmul.f32 v7, v63;
	v8 =	vsub.f32 $1.500000000e+00, v8  }
0x120: {  	v9 =	vsub.f32 $1.500000000e+00, v9  }
0x121: {  	v10 =	vsub.f32 $1.500000000e+00, v10;
	v5 =	vmul.f32 v5, v8  }
0x122: {  	v6 =	vmul.f32 v6, v9  }
0x123: {  	v7 =	vmul.f32 v7, v10;
	v8 =	vmul.f32 v5, v3  }
0x124: {  	v9 =	vmul.f32 v6, v2  }
0x125: {  	v10 =	vmul.f32 v7, v4;
	v8 =	vmul.f32 v8, v5  }
0x126: {  	v9 =	vmul.f32 v9, v6  }
0x127: {  	v10 =	vmul.f32 v10, v7;
	v8 =	vsub.f32 $1.500000000e+00, v8  }
0x128: {  	v9 =	vsub.f32 $1.500000000e+00, v9  }
0x129: {  	v10 =	vsub.f32 $1.500000000e+00, v10;
	v5 =	vmul.f32 v8, v5  }
0x12a: {  	v6 =	vmul.f32 v9, v6  }
0x12b: {  	v7 =	vmul.f32 v10, v7;
	v3 =	vmul.f32 v5, v3  }
0x12c: {  	v2 =	vmul.f32 v6, v2  }
0x12d: {  	v4 =	vmul.f32 v7, v4;
	v3 =	vmul.f32 v3, v5  }
0x12e: {  	v1 =	vsub.f32 $1.500000000e+00, v1;
	v2 =	vmul.f32 v2, v6  }
0x12f: {  	s23 =	sand.u32 $0x380, s1;
	v4 =	vmul.f32 v4, v7;
	v3 =	vsub.f32 $1.500000000e+00, v3  }
0x130: {  	s0 =	sor.u32 $0xF000, s23;
	v0 =	vmul.f32 v1, v0;
	v1 =	vsub.f32 $1.500000000e+00, v2  }
0x131: {  	s24 =	sor.u32 s10, s0;
	v2 =	vsub.f32 $1.500000000e+00, v4;
	v3 =	vmul.f32 v3, v5  }
0x132: {  	s25 =	sor.u32 s9, s0;
	[tilespmem:s24+$0x0] =	vst v0;
	v0 =	vmul.f32 v1, v6  }
0x133: {  	s0 =	sor.u32 s13, s0;
	v1 =	vmul.f32 v2, v7;
	[tilespmem:s25+$0x0] =	vst v3  }
0x134: {  	s26 =	sadd.s32 $0x40, s26;
	[tilespmem:s0+$0x0] =	vst v0  }
0x135: {  	[tilespmem:s26+$0x0] =	vst v1  }
0x136: {  	s28 =	simm.s32 $0xF000;
	s29 =	simm.s32 $0x2;
	s1 =	rddreg [dreg:$0x17]  }
0x137: {  	[spmem:s1] =	stream.linear.scatter [tilespmem:s28], [sflag:$0x2], $0x280, $0x38;
	[tilespmem:$0x14780] =	vst v63  }
0x138: {  	_ =	swait.ge [sflag:s29], $0x280  }
0x139: {  	[sflag:s29] =	ssyncset.done $0x0  }
0x13a: {  	[sflag:s29] =	ssyncadd.s32 $0xFFFFFD80  }
0x13b: {  	[bflag:$0x0] =	sbarrier.arrive $0xFFFF  }
0x13c: {  	s30 =	simm.s32 $0xC800;
	s31 =	rddreg [dreg:$0x3]  }
0x13d: {  	[tilespmem:s30], [sflag:$0x2] =	stream.linear.gather [spmem:s31], $0x2800, $0x38;
	[tilespmem:$0x14780] =	vst v63  }
0x13e: {  	_ =	swait.ge [sflag:s29], $0x2800  }
0x13f: {  	[sflag:s29] =	ssyncset.done $0x0  }
0x140: {  	s0 =	simm.s32 $0xFFFFFFC0;
	v0 =	vimm.f32 $0.0e+00;
	s1 =	simm.s32 $0xA020;
	[sflag:s29] =	ssyncadd.s32 $0xFFFFD800  }
.LBB2_11:
0x141: {  	s0 =	sadd.s32 $0x40, s0  }
0x142: {  	p0 =	slt.u32 s0, $0x27C0  }
.Ltmp5:
0x143: {  	_ = 	snop;
	(pc) =	sbr.rel @p0 .LBB2_11-.Ltmp5, $4  }
0x144: {  	[tilespmem:s1+$0xFFFFFFE0] =	vst v0  }
0x145: {  	[tilespmem:s1+$0xFFFFFFF0] =	vst v0  }
0x146: {  	[tilespmem:s1+$0x0] =	vst v0  }
0x147: {  	[tilespmem:s1+$0x10] =	vst v0;
	s1 =	sadd.s32 $0x40, s1  }
0x148: {  	p0 =	por $0x0, $0x0;
	s4 =	simm.s32 $0x1  }
0x149: {  	s4 =	simm.s32 @!p0 $0x0  }
0x14a: {  	s4 =	sshll.u32 s4, $0x6  }
0x14b: {  	s4 =	sadd.s32 $0x0, s4  }
0x14c: {  	s5 =	sadd.s32 $0x30, s4  }
0x14d: {  	s6 =	sadd.s32 $0x10, s4;
	s5 =	sor.u32 $0x80, s5  }
0x14e: {  	s7 =	sadd.s32 $0x20, s4;
	s6 =	sor.u32 $0x80, s6;
	v1 =	vld [tilespmem:s5+$0x0]  }
0x14f: {  	s30 =	sor.u32 $0x80, s7;
	v2 =	vld [tilespmem:s6+$0x0]  }
0x150: {  	s3 =	simm.s32 $0x0;
	v3 =	vld [tilespmem:s30+$0x0]  }
0x151: {  	s31 =	sand.u32 $0x40, s3;
	s3 =	sand.u32 $0x7FFFFF00, s3  }
0x152: {  	s10 =	rddreg [dreg:$0x16];
	s3 =	sor.u32 s31, s3  }
0x153: {  	p2 =	sgt.u32 s10, $0x40;
	v4 =	vld [tilespmem:s3+$0x30]  }
.Ltmp6:
0x154: {  	v0 =	vld [tilespmem:s3+$0x0];
	s4 =	sor.u32 $0x80, s4;
	(pc) =	sbr.rel @!p2 .LBB2_13-.Ltmp6, $4  }
0x155: {  	s1 =	simm.s32 $0xC800;
	v5 =	vld [tilespmem:s4+$0x0]  }
0x156: {  	v6 =	vld.idx.msk [tilespmem:v1+s1+$0x0], $0xffff  }
0x157: {  	s2 =	simm.s32 $0x1;
	s0 =	simm.s32 $0xA000;
	v1 =	vld.idx.msk [tilespmem:v2+s1+$0x0], $0xffff  }
0x158: {  	s9 =	rddreg [dreg:$0x14];
	p1 =	por !p0, !p0;
	s4 =	simm.s32 $0x40;
	v2 =	vld.idx.msk [tilespmem:v3+s1+$0x0], $0xffff  }
0x159: {  	_ =	sdelay $0x1  }
0x15a: {  	s2 =	simm.s32 @!p1 $0x0  }
0x15b: {  	v7 =	vld [tilespmem:s3+$0x10];
	s2 =	sshll.u32 s2, $0x6  }
0x15c: {  	v8 =	vld [tilespmem:s3+$0x20];
	s2 =	sadd.s32 $0x80, s2  }
0x15d: {  	v3 =	vld.idx.msk [tilespmem:v5+s1+$0x0], $0xffff;
	s26 =	sadd.s32 $0x30, s2  }
0x15e: {  	[tilespmem:v4+s0+$0x0] =	vst.idx.add.f32.msk $0xffff, v6;
	s5 =	sadd.s32 $0x10, s2;
	s3 =	sor.u32 $0x80, s26  }
0x15f: {  	s6 =	sadd.s32 $0x20, s2;
	s5 =	sor.u32 $0x80, s5;
	v6 =	vld [tilespmem:s3+$0x0]  }
0x160: {  	s29 =	sor.u32 $0x80, s2;
	s2 =	simm.s32 $0x80;
	s28 =	sor.u32 $0x80, s6;
	v9 =	vld [tilespmem:s5+$0x0]  }
0x161: {  	s30 =	sand.u32 $0x40, s4;
	s31 =	sand.u32 $0x7FFFFF00, s2;
	v10 =	vld [tilespmem:s28+$0x0]  }
0x162: {  	v5 =	vld [tilespmem:s29+$0x0];
	s3 =	sor.u32 s30, s31  }
0x163: {  	v4 =	vld [tilespmem:s3+$0x30]  }
0x164: {  	p2 =	sgt.u32 s10, $0x80;
	[tilespmem:v7+s0+$0x0] =	vst.idx.add.f32.msk $0xffff, v1  }
.Ltmp7:
0x165: {  	[tilespmem:v8+s0+$0x0] =	vst.idx.add.f32.msk $0xffff, v2;
	(pc) =	sbr.rel @!p2 .LBB2_15-.Ltmp7, $4  }
0x166: {  	v7 =	vld [tilespmem:s3+$0x0]  }
0x167: {  	v6 =	vld.idx.msk [tilespmem:v6+s1+$0x0], $0xffff  }
0x168: {  	v1 =	vld.idx.msk [tilespmem:v9+s1+$0x0], $0xffff  }
0x169: {  	s4 =	simm.s32 $0x80;
	p1 =	por !p1, !p1;
	p0 =	por $0x1, $0x1;
	v2 =	vld.idx.msk [tilespmem:v10+s1+$0x0], $0xffff  }
.LBB2_16:
0x16a: {  	s5 =	simm.s32 $0x1  }
0x16b: {  	v5 =	vld.idx.msk [tilespmem:v5+s1+$0x0], $0xffff;
	s6 =	smov.u32 s4;
	s4 =	sadd.s32 $0x40, s4;
	s5 =	simm.s32 @!p1 $0x0  }
0x16c: {  	s2 =	sadd.s32 $0x80, s2;
	p2 =	slt.u32 s4, s10;
	s5 =	sshll.u32 s5, $0x6;
	v8 =	vld [tilespmem:s3+$0x10]  }
0x16d: {  	s5 =	sadd.s32 s5, s2;
	v9 =	vld [tilespmem:s3+$0x20]  }
0x16e: {  	s3 =	sadd.s32 $0x10, s5;
	s7 =	sadd.s32 $0x20, s5;
	s8 =	sadd.s32 $0x30, s5;
	[tilespmem:v4+s0+$0x0] =	vst.idx.add.f32.msk $0xffff, v6  }
0x16f: {  	s3 =	sor.u32 $0x80, s3;
	s7 =	sor.u32 $0x80, s7;
	s8 =	sor.u32 $0x80, s8;
	[tilespmem:v0+s0+$0x0] =	vst.idx.add.f32.msk $0xffff, v3;
	v0 =	vmov v7  }
0x170: {  	s5 =	sor.u32 $0x80, s5;
	v6 =	vld [tilespmem:s8+$0x0]  }
0x171: {  	v3 =	vmov v5;
	v10 =	vld [tilespmem:s3+$0x0]  }
0x172: {  	v11 =	vld [tilespmem:s7+$0x0]  }
0x173: {  	v5 =	vld [tilespmem:s5+$0x0]  }
0x174: {  	s3 =	sand.u32 $0x40, s6;
	s5 =	sand.u32 $0x7FFFFF00, s2;
	[tilespmem:v8+s0+$0x0] =	vst.idx.add.f32.msk $0xffff, v1  }
0x175: {  	s3 =	sor.u32 s3, s5;
	[tilespmem:v9+s0+$0x0] =	vst.idx.add.f32.msk $0xffff, v2  }
.Ltmp8:
0x176: {  	v4 =	vld [tilespmem:s3+$0x30];
	(pc) =	sbr.rel @p2 .LBB2_16-.Ltmp8, $4  }
0x177: {  	v7 =	vld [tilespmem:s3+$0x0]  }
0x178: {  	v6 =	vld.idx.msk [tilespmem:v6+s1+$0x0], $0xffff  }
0x179: {  	v1 =	vld.idx.msk [tilespmem:v10+s1+$0x0], $0xffff  }
0x17a: {  	p1 =	por !p1, !p1;
	v2 =	vld.idx.msk [tilespmem:v11+s1+$0x0], $0xffff  }
0x17b: {  	_ = 	snop  }
0x17c: {  	v8 =	vmov v0;
	v0 =	vmov v7  }
.LBB2_18:
0x17d: {  	_ =	sdelay $0x1  }
0x17e: {  	v7 =	vld [tilespmem:s3+$0x10]  }
0x17f: {  	v9 =	vld [tilespmem:s3+$0x20]  }
0x180: {  	v5 =	vld.idx.msk [tilespmem:v5+s1+$0x0], $0xffff;
	_ =	sdelay $0x2  }
0x181: {  	[tilespmem:v4+s0+$0x0] =	vst.idx.add.f32.msk $0xffff, v6  }
0x182: {  	[tilespmem:v8+s0+$0x0] =	vst.idx.add.f32.msk @p0 $0xffff, v3  }
0x183: {  	[tilespmem:v0+s0+$0x0] =	vst.idx.add.f32.msk $0xffff, v5  }
0x184: {  	[tilespmem:v7+s0+$0x0] =	vst.idx.add.f32.msk $0xffff, v1  }
0x185: {  	s7 =	simm.s32 $0x80;
	s8 =	simm.s32 $0x400;
	[tilespmem:v9+s0+$0x0] =	vst.idx.add.f32.msk $0xffff, v2  }
0x186: {  	s2 =	simm.s32 $0xA000;
	s11 =	simm.s32 $0x2;
	s10 =	rddreg [dreg:$0x15]  }
0x187: {  	[spmem:s10] =	stream.strided.scatter [tilespmem:s2], [sflag:$0x2], $0x2800, s8, s7, $0x38;
	[tilespmem:$0x14780] =	vst v63  }
0x188: {  	_ =	swait.ge [sflag:s11], $0x2800  }
0x189: {  	[sflag:s11] =	ssyncset.done $0x0  }
0x18a: {  	s12 =	simm.s32 $0x1400;
	[sflag:s11] =	ssyncadd.s32 $0xFFFFD800  }
0x18b: {  	s13 =	simm.s32 $0x14000;
	s14 =	simm.s32 $0xF500;
	[bflag:$0x0] =	sbarrier.arrive $0xFFFF  }
0x18c: {  	[tilespmem:s14], [sflag:$0x2] =	stream.strided.gather [spmem:s9], $0x2800, s13, s12, $0x38;
	[tilespmem:$0x14780] =	vst v63  }
0x18d: {  	_ =	swait.ge [sflag:s11], $0x2800  }
0x18e: {  	[sflag:s11] =	ssyncset.done $0x0  }
0x18f: {  	s15 =	simm.s32 $0xF000;
	[sflag:s11] =	ssyncadd.s32 $0xFFFFD800  }
0x190: {  	v0 =	vld [tilespmem:s15+$0x0];
	_ =	sdelay $0x1  }
0x191: {  	s16 =	simm.s32 $0x0;
	s9 =	simm.s32 $0x0  }
0x192: {  	s2 =	sand.u32 $0x1C00, s16;
	s0 =	sand.u32 $0x40, s9  }
0x193: {  	s17 =	sadd.s32 $0xF500, s2;
	s7 =	sor.u32 $0x30, s0  }
0x194: {  	s18 =	sor.u32 s7, s17;
	[tilespmem:$0x1FFF0] =	vst v0  }
0x195: {  	s8 =	sor.u32 $0x10, s0;
	v37 =	vld [tilespmem:s18+$0x0]  }
0x196: {  	s4 =	sor.u32 s8, s17;
	v38 =	vld [tilespmem:s18+$0x80]  }
0x197: {  	v5 =	vld [tilespmem:s4+$0x0]  }
0x198: {  	v39 =	vld [tilespmem:s18+$0x100]  }
0x199: {  	s6 =	sor.u32 $0x20, s0;
	v24 =	vld [tilespmem:s4+$0x80]  }
0x19a: {  	s5 =	sor.u32 s6, s17;
	v40 =	vld [tilespmem:s18+$0x180]  }
0x19b: {  	v34 =	vld [tilespmem:s5+$0x0]  }
0x19c: {  	v41 =	vld [tilespmem:s18+$0x200]  }
0x19d: {  	v42 =	vld [tilespmem:s5+$0x80]  }
0x19e: {  	s3 =	sor.u32 s0, s17;
	v43 =	vld [tilespmem:s18+$0x280]  }
0x19f: {  	v35 =	vld [tilespmem:s3+$0x0]  }
0x1a0: {  	v44 =	vld [tilespmem:s18+$0x300]  }
0x1a1: {  	v45 =	vld [tilespmem:s3+$0x80]  }
0x1a2: {  	s10 =	sadd.s32 $0x10900, s2;
	v46 =	vld [tilespmem:s18+$0x380]  }
0x1a3: {  	s20 =	sor.u32 s7, s10;
	v47 =	vld [tilespmem:s4+$0x100]  }
0x1a4: {  	s11 =	sadd.s32 $0x10980, s2;
	v48 =	vld [tilespmem:s20+$0x0]  }
0x1a5: {  	s14 =	sadd.s32 $0x10B00, s2;
	s21 =	sor.u32 s7, s11;
	v49 =	vld [tilespmem:s5+$0x100]  }
0x1a6: {  	s24 =	sor.u32 s7, s14;
	v50 =	vld [tilespmem:s21+$0x0]  }
0x1a7: {  	s12 =	sadd.s32 $0x10A00, s2;
	v0 =	vld [tilespmem:s24+$0x0]  }
0x1a8: {  	s22 =	sor.u32 s7, s12;
	v51 =	vld [tilespmem:s3+$0x100]  }
0x1a9: {  	s13 =	sadd.s32 $0x10A80, s2;
	v31 =	vld [tilespmem:s22+$0x0]  }
0x1aa: {  	s23 =	sor.u32 s7, s13;
	v52 =	vld [tilespmem:s4+$0x180]  }
0x1ab: {  	s15 =	sadd.s32 $0x10B80, s2;
	v6 =	vld [tilespmem:s23+$0x0]  }
0x1ac: {  	s25 =	sor.u32 s7, s15;
	v53 =	vld [tilespmem:s5+$0x180];
	[tilespmem:$0x1FFB0] =	vst v0  }
0x1ad: {  	v0 =	vld [tilespmem:s25+$0x0];
	_ =	sdelay $0x3  }
0x1ae: {  	s16 =	sadd.s32 $0x10C00, s2  }
0x1af: {  	s17 =	sor.u32 s7, s16;
	v54 =	vld [tilespmem:s3+$0x180];
	[tilespmem:$0x1FFC0] =	vst v0  }
0x1b0: {  	v0 =	vld [tilespmem:s17+$0x0];
	_ =	sdelay $0x3  }
0x1b1: {  	s1 =	sadd.s32 $0x10C80, s2  }
0x1b2: {  	s2 =	sor.u32 s7, s1;
	v55 =	vld [tilespmem:s4+$0x200];
	[tilespmem:$0x1FFD0] =	vst v0  }
0x1b3: {  	v0 =	vld [tilespmem:s2+$0x0]  }
0x1b4: {  	v5 =	vadd.f32 v24, v5;
	v24 =	vadd.f32 v42, v34;
	_ =	sdelay $0x1  }
0x1b5: {  	v24 =	vadd.f32 v49, v24  }
0x1b6: {  	v56 =	vld [tilespmem:s5+$0x200]  }
0x1b7: {  	v24 =	vadd.f32 v53, v24;
	v53 =	vld [tilespmem:$0x1FFD0];
	[tilespmem:$0x1FFE0] =	vst v0  }
0x1b8: {  	v57 =	vld [tilespmem:s3+$0x200]  }
0x1b9: {  	v58 =	vld [tilespmem:s4+$0x280]  }
0x1ba: {  	v59 =	vld [tilespmem:s5+$0x280]  }
0x1bb: {  	v60 =	vld [tilespmem:s3+$0x280]  }
0x1bc: {  	v61 =	vld [tilespmem:s4+$0x300]  }
0x1bd: {  	v62 =	vld [tilespmem:s5+$0x300]  }
0x1be: {  	v36 =	vld [tilespmem:s3+$0x300]  }
0x1bf: {  	v32 =	vld [tilespmem:s4+$0x380]  }
0x1c0: {  	v33 =	vld [tilespmem:s5+$0x380]  }
0x1c1: {  	s26 =	sor.u32 s8, s10;
	v11 =	vld [tilespmem:s3+$0x380]  }
0x1c2: {  	s28 =	sor.u32 s6, s10;
	v12 =	vld [tilespmem:s26+$0x0]  }
0x1c3: {  	s29 =	sor.u32 s0, s10;
	v25 =	vld [tilespmem:s28+$0x0]  }
0x1c4: {  	s30 =	sor.u32 s8, s11;
	v13 =	vld [tilespmem:s29+$0x0]  }
0x1c5: {  	s31 =	sor.u32 s6, s11;
	v14 =	vld [tilespmem:s30+$0x0]  }
0x1c6: {  	s10 =	sor.u32 s6, s12;
	v26 =	vld [tilespmem:s31+$0x0]  }
0x1c7: {  	s17 =	sor.u32 s6, s13;
	v28 =	vld [tilespmem:s10+$0x0]  }
0x1c8: {  	s18 =	sor.u32 s0, s13;
	v16 =	vld [tilespmem:s17+$0x0]  }
0x1c9: {  	s20 =	sor.u32 s8, s14;
	v17 =	vld [tilespmem:s18+$0x0]  }
0x1ca: {  	s21 =	sor.u32 s6, s14;
	v8 =	vld [tilespmem:s20+$0x0]  }
0x1cb: {  	s22 =	sor.u32 s0, s14;
	v18 =	vld [tilespmem:s21+$0x0]  }
0x1cc: {  	s23 =	sor.u32 s8, s15;
	v19 =	vld [tilespmem:s22+$0x0]  }
0x1cd: {  	s24 =	sor.u32 s6, s15;
	v9 =	vld [tilespmem:s23+$0x0]  }
0x1ce: {  	s25 =	sor.u32 s0, s15;
	v20 =	vld [tilespmem:s24+$0x0]  }
0x1cf: {  	s4 =	sor.u32 s0, s11;
	v21 =	vld [tilespmem:s25+$0x0]  }
0x1d0: {  	s5 =	sor.u32 s8, s12;
	v27 =	vld [tilespmem:s4+$0x0]  }
0x1d1: {  	s11 =	sor.u32 s0, s12;
	v15 =	vld [tilespmem:s5+$0x0]  }
0x1d2: {  	s12 =	sor.u32 s8, s13;
	v29 =	vld [tilespmem:s11+$0x0]  }
0x1d3: {  	s26 =	sor.u32 s8, s16;
	v7 =	vld [tilespmem:s12+$0x0]  }
0x1d4: {  	s28 =	sor.u32 s6, s16;
	v10 =	vld [tilespmem:s26+$0x0]  }
0x1d5: {  	s29 =	sor.u32 s0, s16;
	v22 =	vld [tilespmem:s28+$0x0]  }
0x1d6: {  	s30 =	sor.u32 s8, s1;
	s20 =	simm.s32 $0x200;
	v23 =	vld [tilespmem:s29+$0x0];
	s4 =	simm.s32 $0x40  }
0x1d7: {  	s31 =	sor.u32 s6, s1;
	v30 =	vld [tilespmem:s30+$0x0];
	s5 =	sand.u32 $0x1C00, s20;
	s10 =	sand.u32 $0x40, s4  }
0x1d8: {  	v37 =	vadd.f32 v38, v37;
	s0 =	sor.u32 s0, s1;
	v38 =	vld [tilespmem:s31+$0x0];
	s3 =	sadd.s32 $0xF500, s5;
	s12 =	sor.u32 $0x30, s10  }
0x1d9: {  	v63 =	vld [tilespmem:s0+$0x0];
	s21 =	sor.u32 s12, s3  }
0x1da: {  	v37 =	vadd.f32 v39, v37;
	s11 =	sor.u32 $0x10, s10;
	v39 =	vld [tilespmem:s21+$0x0]  }
0x1db: {  	s22 =	sor.u32 s11, s3;
	v0 =	vld [tilespmem:s21+$0x80]  }
0x1dc: {  	v37 =	vadd.f32 v40, v37;
	v40 =	vld [tilespmem:s22+$0x0]  }
0x1dd: {  	v1 =	vld [tilespmem:s21+$0x100]  }
0x1de: {  	v37 =	vadd.f32 v41, v37;
	v41 =	vld [tilespmem:s22+$0x80]  }
0x1df: {  	v2 =	vld [tilespmem:s21+$0x180]  }
0x1e0: {  	v37 =	vadd.f32 v43, v37;
	v43 =	vld [tilespmem:s21+$0x200]  }
0x1e1: {  	v3 =	vld [tilespmem:s21+$0x280]  }
0x1e2: {  	v37 =	vadd.f32 v44, v37;
	v44 =	vld [tilespmem:s21+$0x300]  }
0x1e3: {  	s18 =	sadd.s32 $0x10900, s5;
	v4 =	vld [tilespmem:s21+$0x380]  }
0x1e4: {  	v37 =	vadd.f32 v46, v37;
	s2 =	sadd.s32 $0x10980, s5;
	s23 =	sor.u32 s12, s18;
	v46 =	vld [tilespmem:s22+$0x100]  }
0x1e5: {  	s1 =	sadd.s32 $0x10A00, s5;
	s24 =	sor.u32 s12, s2;
	v34 =	vld [tilespmem:s23+$0x0]  }
0x1e6: {  	v35 =	vadd.f32 v45, v35;
	v37 =	vadd.f32 v48, v37;
	s25 =	sor.u32 s12, s1;
	v42 =	vld [tilespmem:s24+$0x0]  }
0x1e7: {  	v5 =	vadd.f32 v47, v5;
	s0 =	sadd.s32 $0x10A80, s5;
	v45 =	vld [tilespmem:s25+$0x0]  }
0x1e8: {  	v35 =	vadd.f32 v51, v35;
	v37 =	vadd.f32 v50, v37;
	s17 =	sadd.s32 $0x10B00, s5;
	s26 =	sor.u32 s12, s0;
	v47 =	vld [tilespmem:s22+$0x180]  }
0x1e9: {  	s16 =	sadd.s32 $0x10B80, s5;
	s28 =	sor.u32 s12, s17;
	v48 =	vld [tilespmem:s26+$0x0]  }
0x1ea: {  	v35 =	vadd.f32 v54, v35;
	v31 =	vadd.f32 v31, v37;
	s29 =	sor.u32 s12, s16;
	v37 =	vld [tilespmem:s28+$0x0]  }
0x1eb: {  	v5 =	vadd.f32 v52, v5;
	s14 =	sadd.s32 $0x10C00, s5;
	v49 =	vld [tilespmem:s29+$0x0]  }
0x1ec: {  	v24 =	vadd.f32 v56, v24;
	s30 =	sor.u32 s12, s14;
	v57 =	vadd.f32 v57, v35;
	v35 =	vld [tilespmem:s22+$0x200]  }
0x1ed: {  	v5 =	vadd.f32 v55, v5;
	s13 =	sadd.s32 $0x10C80, s5;
	v50 =	vld [tilespmem:s30+$0x0]  }
0x1ee: {  	s15 =	sor.u32 $0x20, s10;
	s31 =	sor.u32 s12, s13;
	v24 =	vadd.f32 v59, v24;
	v59 =	vld [tilespmem:$0x1FFB0]  }
0x1ef: {  	v5 =	vadd.f32 v58, v5;
	v51 =	vld [tilespmem:s31+$0x0];
	s21 =	sor.u32 s15, s3  }
0x1f0: {  	v6 =	vadd.f32 v6, v31;
	v54 =	vld [tilespmem:s21+$0x0];
	v31 =	vadd.f32 v60, v57  }
0x1f1: {  	v56 =	vld [tilespmem:s21+$0x80];
	v5 =	vadd.f32 v61, v5;
	v24 =	vadd.f32 v62, v24  }
0x1f2: {  	v62 =	vld [tilespmem:$0x1FFC0];
	v31 =	vadd.f32 v36, v31  }
0x1f3: {  	v52 =	vld [tilespmem:s22+$0x280];
	v5 =	vadd.f32 v32, v5;
	v24 =	vadd.f32 v33, v24  }
0x1f4: {  	v58 =	vld [tilespmem:s21+$0x100];
	v6 =	vadd.f32 v59, v6;
	v0 =	vadd.f32 v0, v39  }
0x1f5: {  	v57 =	vld [tilespmem:$0x1FFE0];
	v39 =	vadd.f32 v41, v40;
	v11 =	vadd.f32 v11, v31  }
0x1f6: {  	v60 =	vld [tilespmem:s21+$0x200];
	v5 =	vadd.f32 v12, v5;
	v55 =	vadd.f32 v25, v24  }
0x1f7: {  	v61 =	vld [tilespmem:s21+$0x280];
	v40 =	vadd.f32 v56, v54;
	v6 =	vadd.f32 v62, v6  }
0x1f8: {  	v59 =	vld [tilespmem:s21+$0x180];
	v0 =	vadd.f32 v1, v0;
	v5 =	vadd.f32 v14, v5  }
0x1f9: {  	v36 =	vld [tilespmem:s22+$0x300];
	v11 =	vadd.f32 v13, v11;
	v12 =	vadd.f32 v26, v55  }
0x1fa: {  	s3 =	sor.u32 s10, s3;
	v32 =	vld [tilespmem:s22+$0x380];
	v13 =	vadd.f32 v58, v40;
	v5 =	vadd.f32 v15, v5  }
0x1fb: {  	s25 =	sor.u32 s11, s2;
	v33 =	vld [tilespmem:s3+$0x380];
	v6 =	vadd.f32 v53, v6;
	v0 =	vadd.f32 v2, v0  }
0x1fc: {  	v41 =	vld [tilespmem:s25+$0x0];
	v11 =	vadd.f32 v27, v11;
	v5 =	vadd.f32 v7, v5  }
0x1fd: {  	s31 =	sand.u32 $0x380, s9;
	v2 =	vld [tilespmem:s3+$0x0];
	v12 =	vadd.f32 v28, v12;
	v13 =	vadd.f32 v59, v13  }
0x1fe: {  	s5 =	sor.u32 s31, s7;
	v6 =	vadd.f32 v57, v6;
	v5 =	vadd.f32 v8, v5;
	v8 =	vld [tilespmem:s3+$0x80]  }
0x1ff: {  	v53 =	vld [tilespmem:s5+$0xF000];
	v0 =	vadd.f32 v43, v0;
	v11 =	vadd.f32 v29, v11  }
0x200: {  	s7 =	sor.u32 s31, s8;
	v28 =	vld [tilespmem:s3+$0x100];
	v7 =	vadd.f32 v16, v12;
	v13 =	vadd.f32 v60, v13  }
0x201: {  	v54 =	vld [tilespmem:s7+$0xF000];
	v0 =	vadd.f32 v3, v0;
	v11 =	vadd.f32 v17, v11  }
0x202: {  	v7 =	vadd.f32 v18, v7;
	v5 =	vadd.f32 v9, v5;
	v9 =	vld [tilespmem:s3+$0x180]  }
0x203: {  	v1 =	vld [tilespmem:s21+$0x300];
	v13 =	vadd.f32 v61, v13;
	v2 =	vadd.f32 v8, v2  }
0x204: {  	s8 =	sor.u32 s11, s17;
	v3 =	vld [tilespmem:s3+$0x200];
	v6 =	vadd.f32 v53, v6;
	v0 =	vadd.f32 v44, v0  }
0x205: {  	v56 =	vld [tilespmem:s8+$0x0];
	v11 =	vadd.f32 v19, v11;
	v2 =	vadd.f32 v28, v2  }
0x206: {  	v7 =	vadd.f32 v20, v7;
	v5 =	vadd.f32 v10, v5;
	v10 =	vld [tilespmem:s3+$0x280]  }
0x207: {  	s23 =	sor.u32 s15, s18;
	s24 =	sor.u32 s10, s18;
	v62 =	vld [tilespmem:s21+$0x380];
	v19 =	vadd.f32 v46, v39;
	v2 =	vadd.f32 v9, v2  }
0x208: {  	s26 =	sor.u32 s15, s2;
	s22 =	sor.u32 s11, s18;
	s18 =	sand.u32 $0x380, s4;
	v29 =	vld [tilespmem:s3+$0x300];
	v1 =	vadd.f32 v1, v13;
	v0 =	vadd.f32 v4, v0  }
0x209: {  	s21 =	sor.u32 s18, s12;
	v43 =	vld [tilespmem:s26+$0x0];
	v11 =	vadd.f32 v21, v11;
	v2 =	vadd.f32 v3, v2  }
0x20a: {  	s2 =	sor.u32 s10, s2;
	v57 =	vld [tilespmem:s21+$0xF000];
	v44 =	vadd.f32 v47, v19;
	v0 =	vadd.f32 v34, v0  }
0x20b: {  	v46 =	vld [tilespmem:s2+$0x0];
	v7 =	vadd.f32 v22, v7;
	v2 =	vadd.f32 v10, v2  }
0x20c: {  	v8 =	vld [tilespmem:s24+$0x0];
	v12 =	vadd.f32 v35, v44;
	v0 =	vadd.f32 v42, v0  }
0x20d: {  	s28 =	sor.u32 s11, s1;
	v4 =	vld [tilespmem:s23+$0x0];
	v1 =	vadd.f32 v62, v1;
	v2 =	vadd.f32 v29, v2  }
0x20e: {  	v47 =	vld [tilespmem:s28+$0x0];
	v12 =	vadd.f32 v52, v12;
	v0 =	vadd.f32 v45, v0  }
0x20f: {  	s29 =	sor.u32 s15, s1;
	s1 =	sor.u32 s10, s1;
	v7 =	vadd.f32 v38, v7;
	v38 =	vld [tilespmem:s22+$0x0];
	v2 =	vadd.f32 v33, v2  }
0x210: {  	s23 =	sor.u32 s11, s16;
	v0 =	vadd.f32 v48, v0;
	v3 =	vld [tilespmem:s1+$0x0];
	v10 =	vadd.f32 v36, v12  }
0x211: {  	s30 =	sor.u32 s11, s0;
	s3 =	sor.u32 s15, s0;
	s0 =	sor.u32 s10, s0;
	v59 =	vld [tilespmem:s23+$0x0];
	v5 =	vadd.f32 v30, v5;
	v2 =	vadd.f32 v8, v2  }
0x212: {  	v55 =	vld [tilespmem:s0+$0x0];
	v0 =	vadd.f32 v37, v0;
	v10 =	vadd.f32 v32, v10  }
0x213: {  	v52 =	vld [tilespmem:s3+$0x0];
	v1 =	vadd.f32 v4, v1;
	v2 =	vadd.f32 v46, v2  }
0x214: {  	s2 =	sor.u32 s31, s6;
	v9 =	vld [tilespmem:s29+$0x0];
	v0 =	vadd.f32 v49, v0;
	v10 =	vadd.f32 v38, v10  }
0x215: {  	v8 =	vld [tilespmem:s2+$0xF000];
	v3 =	vadd.f32 v3, v2;
	v2 =	vadd.f32 v54, v5;
	v5 =	vmul.f32 v6, v53  }
0x216: {  	s9 =	sor.u32 s15, s17;
	v11 =	vadd.f32 v23, v11;
	v48 =	vld [tilespmem:s30+$0x0];
	v0 =	vadd.f32 v50, v0  }
0x217: {  	v4 =	vld [tilespmem:s9+$0x0];
	v1 =	vadd.f32 v43, v1;
	v10 =	vadd.f32 v41, v10;
	[tilespmem:s5+$0xF280] =	vst v5  }
0x218: {  	s22 =	sor.u32 s10, s17;
	v11 =	vadd.f32 v63, v11;
	v0 =	vadd.f32 v51, v0;
	v62 =	vld [tilespmem:$0x1FFF0]  }
0x219: {  	s24 =	sor.u32 s15, s16;
	v58 =	vld [tilespmem:s22+$0x0];
	v1 =	vadd.f32 v9, v1;
	v10 =	vadd.f32 v47, v10  }
0x21a: {  	s25 =	sor.u32 s10, s16;
	v9 =	vld [tilespmem:s24+$0x0];
	v0 =	vadd.f32 v57, v0;
	v6 =	vadd.f32 v8, v7  }
0x21b: {  	s28 =	sor.u32 s15, s14;
	v61 =	vadd.f32 v52, v1;
	v7 =	vadd.f32 v48, v10;
	v10 =	vld [tilespmem:s25+$0x0]  }
0x21c: {  	s30 =	sor.u32 s11, s13;
	v1 =	vld [tilespmem:s28+$0x0];
	v0 =	vmul.f32 v0, v57;
	v5 =	vmul.f32 v6, v8;
	v6 =	vadd.f32 v55, v3  }
0x21d: {  	s26 =	sor.u32 s11, s14;
	v63 =	vadd.f32 v4, v61;
	v4 =	vld [tilespmem:s30+$0x0];
	v60 =	vmul.f32 v2, v54;
	v8 =	vadd.f32 v62, v11  }
0x21e: {  	s29 =	sor.u32 s10, s14;
	v2 =	vld [tilespmem:s26+$0x0];
	[tilespmem:s21+$0xF280] =	vst v0;
	v6 =	vadd.f32 v58, v6  }
0x21f: {  	s6 =	simm.s32 $0xF040;
	v7 =	vadd.f32 v56, v7;
	v3 =	vld [tilespmem:s29+$0x0];
	[tilespmem:s7+$0xF280] =	vst v60;
	v11 =	vmul.f32 v8, v62  }
0x220: {  	s19 =	simm.s32 $0xF280;
	s31 =	sor.u32 s15, s13;
	v0 =	vld [tilespmem:s6+$0x0];
	[tilespmem:s2+$0xF280] =	vst v5;
	v6 =	vadd.f32 v10, v6  }
0x221: {  	s8 =	sor.u32 s18, s11;
	s7 =	sor.u32 s18, s15;
	v5 =	vld [tilespmem:s31+$0x0];
	s2 =	sor.u32 s10, s13;
	v8 =	vadd.f32 v59, v7;
	v7 =	vadd.f32 v9, v63;
	[tilespmem:s19+$0x0] =	vst v11  }
.LBB2_19:
0x222: {  	s4 =	sadd.s32 $0x40, s4;
	v9 =	vld [tilespmem:s2+$0x0];
	s20 =	sadd.s32 $0x200, s20  }
0x223: {  	s12 =	sand.u32 $0x40, s4;
	s2 =	sand.u32 $0x1C00, s20;
	v2 =	vadd.f32 v2, v8;
	v8 =	vld [tilespmem:s8+$0xF000]  }
0x224: {  	s6 =	sadd.s32 $0x40, s6;
	s3 =	sadd.s32 $0xF500, s2;
	s13 =	sor.u32 $0x30, s12;
	v3 =	vadd.f32 v3, v6;
	v6 =	vld [tilespmem:s7+$0xF000]  }
0x225: {  	s5 =	sor.u32 s13, s3;
	v1 =	vadd.f32 v1, v7;
	v7 =	vld [tilespmem:s6+$0x0]  }
0x226: {  	v10 =	vld [tilespmem:s5+$0x100]  }
0x227: {  	s0 =	sor.u32 $0x10, s12;
	v2 =	vadd.f32 v4, v2;
	v4 =	vld [tilespmem:s5+$0x0];
	v3 =	vadd.f32 v9, v3  }
0x228: {  	s10 =	sor.u32 s0, s3;
	v1 =	vadd.f32 v5, v1;
	v5 =	vld [tilespmem:s5+$0x80]  }
0x229: {  	v11 =	vld [tilespmem:s10+$0x80];
	v3 =	vadd.f32 v0, v3;
	v2 =	vadd.f32 v8, v2  }
0x22a: {  	s1 =	sor.u32 $0x20, s12;
	v9 =	vld [tilespmem:s10+$0x0];
	v1 =	vadd.f32 v6, v1  }
0x22b: {  	s11 =	sor.u32 s1, s3;
	v3 =	vmul.f32 v3, v0;
	v2 =	vmul.f32 v2, v8;
	v8 =	vld [tilespmem:s5+$0x180]  }
0x22c: {  	s19 =	sadd.s32 $0x40, s19;
	v1 =	vmul.f32 v1, v6;
	v6 =	vld [tilespmem:s11+$0x0]  }
0x22d: {  	v4 =	vadd.f32 v5, v4;
	v5 =	vld [tilespmem:s5+$0x280];
	[tilespmem:s19+$0x0] =	vst v3  }
0x22e: {  	s9 =	sor.u32 s12, s3;
	[tilespmem:s8+$0xF280] =	vst v2;
	v2 =	vld [tilespmem:s5+$0x200]  }
0x22f: {  	v0 =	vmov v7;
	v7 =	vld [tilespmem:s9+$0x0]  }
0x230: {  	v3 =	vadd.f32 v11, v9;
	[tilespmem:s7+$0xF280] =	vst v1;
	v4 =	vadd.f32 v10, v4;
	v9 =	vld [tilespmem:s9+$0x80]  }
0x231: {  	v1 =	vld [tilespmem:s11+$0x80]  }
0x232: {  	v11 =	vld [tilespmem:s9+$0x300];
	v4 =	vadd.f32 v8, v4  }
0x233: {  	v8 =	vld [tilespmem:s5+$0x300]  }
0x234: {  	v10 =	vld [tilespmem:s11+$0x100];
	v2 =	vadd.f32 v2, v4  }
0x235: {  	s14 =	sadd.s32 $0x10900, s2;
	v4 =	vld [tilespmem:s5+$0x380]  }
0x236: {  	s17 =	sor.u32 s13, s14;
	v1 =	vadd.f32 v1, v6;
	v6 =	vld [tilespmem:s10+$0x100];
	v2 =	vadd.f32 v5, v2  }
0x237: {  	s18 =	sadd.s32 $0x10980, s2;
	s24 =	sadd.s32 $0x10A00, s2;
	v5 =	vld [tilespmem:s17+$0x0]  }
0x238: {  	s28 =	sadd.s32 $0x10A80, s2;
	s15 =	sor.u32 s0, s14;
	s23 =	sor.u32 s13, s18;
	v7 =	vadd.f32 v9, v7;
	v9 =	vld [tilespmem:s9+$0x100];
	v2 =	vadd.f32 v8, v2  }
0x239: {  	s16 =	sor.u32 s1, s14;
	s26 =	sor.u32 s13, s24;
	[dreg:$0x10] =	wrdreg s15;
	v8 =	vld [tilespmem:s23+$0x0]  }
0x23a: {  	s30 =	sadd.s32 $0x10B00, s2;
	s3 =	sor.u32 s12, s14;
	[dreg:$0xd] =	wrdreg s16;
	v2 =	vadd.f32 v4, v2;
	v4 =	vld [tilespmem:s26+$0x0]  }
0x23b: {  	s21 =	sor.u32 s0, s18;
	s22 =	sor.u32 s1, s18;
	[dreg:$0xf] =	wrdreg s3;
	v3 =	vadd.f32 v6, v3;
	v6 =	vld [tilespmem:s10+$0x180]  }
0x23c: {  	s18 =	sor.u32 s12, s18;
	s29 =	sor.u32 s13, s28;
	[dreg:$0x11] =	wrdreg s21;
	v1 =	vadd.f32 v10, v1;
	v10 =	vld [tilespmem:s11+$0x180];
	v2 =	vadd.f32 v5, v2  }
0x23d: {  	s25 =	sor.u32 s1, s24;
	s31 =	sor.u32 s13, s30;
	[dreg:$0xe] =	wrdreg s22;
	v5 =	vld [tilespmem:s29+$0x0]  }
0x23e: {  	s14 =	sadd.s32 $0x10C00, s2;
	[dreg:$0x12] =	wrdreg s25;
	s21 =	sor.u32 s12, s24;
	v7 =	vadd.f32 v9, v7;
	v9 =	vld [tilespmem:s9+$0x180];
	v2 =	vadd.f32 v8, v2  }
0x23f: {  	s22 =	sor.u32 s1, s28;
	s25 =	sor.u32 s1, s30;
	s7 =	sadd.s32 $0x10B80, s2;
	v8 =	vld [tilespmem:s31+$0x0]  }
0x240: {  	s15 =	sor.u32 s13, s14;
	s2 =	sadd.s32 $0x10C80, s2;
	s8 =	sor.u32 s13, s7;
	v3 =	vadd.f32 v6, v3;
	v6 =	vld [tilespmem:s10+$0x200];
	v2 =	vadd.f32 v4, v2  }
0x241: {  	s16 =	sor.u32 s0, s7;
	s3 =	sor.u32 s0, s2;
	s5 =	sor.u32 s0, s14;
	v4 =	vld [tilespmem:s8+$0x0]  }
0x242: {  	s17 =	sor.u32 s1, s14;
	s14 =	sor.u32 s12, s14;
	s23 =	sor.u32 s0, s24;
	v1 =	vadd.f32 v10, v1;
	v10 =	vld [tilespmem:s11+$0x200];
	v2 =	vadd.f32 v5, v2  }
0x243: {  	s24 =	sor.u32 s12, s28;
	s26 =	sor.u32 s0, s28;
	s28 =	sor.u32 s0, s30;
	v5 =	vld [tilespmem:s15+$0x0]  }
0x244: {  	s30 =	sor.u32 s12, s30;
	s31 =	sor.u32 s12, s7;
	v7 =	vadd.f32 v9, v7;
	v9 =	vld [tilespmem:s9+$0x200];
	s8 =	sor.u32 s13, s2;
	v2 =	vadd.f32 v8, v2  }
0x245: {  	s15 =	sor.u32 s1, s2;
	s2 =	sor.u32 s12, s2;
	s12 =	sand.u32 $0x380, s4;
	v8 =	vld [tilespmem:s8+$0x0]  }
0x246: {  	s29 =	sor.u32 s1, s7;
	s7 =	sor.u32 s12, s1;
	s1 =	sor.u32 s12, s13;
	v3 =	vadd.f32 v6, v3;
	v6 =	vld [tilespmem:s10+$0x280];
	v2 =	vadd.f32 v4, v2  }
0x247: {  	v4 =	vld [tilespmem:s1+$0xF000]  }
0x248: {  	v2 =	vadd.f32 v5, v2;
	v5 =	vld [tilespmem:s11+$0x280]  }
0x249: {  	v1 =	vadd.f32 v10, v1;
	v10 =	vld [tilespmem:s9+$0x280]  }
0x24a: {  	v7 =	vadd.f32 v9, v7;
	v9 =	vld [tilespmem:s11+$0x300];
	v2 =	vadd.f32 v8, v2  }
0x24b: {  	v8 =	vld [tilespmem:s10+$0x300]  }
0x24c: {  	v3 =	vadd.f32 v6, v3;
	v6 =	vld [tilespmem:s10+$0x380];
	v2 =	vadd.f32 v4, v2  }
0x24d: {  	v1 =	vadd.f32 v5, v1;
	v5 =	vld [tilespmem:s11+$0x380]  }
0x24e: {  	v2 =	vmul.f32 v2, v4;
	v4 =	vadd.f32 v10, v7;
	v7 =	vld [tilespmem:s9+$0x380]  }
0x24f: {  	s10 =	rddreg [dreg:$0xd];
	v10 =	vld [tilespmem:s31+$0x0]  }
0x250: {  	s9 =	rddreg [dreg:$0x10];
	v3 =	vadd.f32 v8, v3;
	v8 =	vld [tilespmem:s10+$0x0]  }
0x251: {  	s11 =	rddreg [dreg:$0xf];
	[tilespmem:s1+$0xF280] =	vst v2;
	v2 =	vld [tilespmem:s9+$0x0]  }
0x252: {  	s8 =	sor.u32 s12, s0;
	s12 =	rddreg [dreg:$0x11];
	v1 =	vadd.f32 v9, v1;
	v9 =	vld [tilespmem:s11+$0x0]  }
0x253: {  	s13 =	rddreg [dreg:$0xe];
	v4 =	vadd.f32 v11, v4;
	v3 =	vadd.f32 v6, v3;
	v6 =	vld [tilespmem:s12+$0x0]  }
0x254: {  	v1 =	vadd.f32 v5, v1;
	v5 =	vld [tilespmem:s13+$0x0]  }
0x255: {  	v4 =	vadd.f32 v7, v4;
	v7 =	vld [tilespmem:s18+$0x0]  }
0x256: {  	v2 =	vadd.f32 v2, v3;
	v3 =	vld [tilespmem:s23+$0x0]  }
0x257: {  	v4 =	vadd.f32 v9, v4;
	s23 =	rddreg [dreg:$0x12];
	v9 =	vld [tilespmem:s21+$0x0]  }
0x258: {  	v1 =	vadd.f32 v8, v1;
	v8 =	vld [tilespmem:s23+$0x0]  }
0x259: {  	v2 =	vadd.f32 v6, v2;
	v6 =	vld [tilespmem:s26+$0x0]  }
0x25a: {  	v1 =	vadd.f32 v5, v1;
	v5 =	vld [tilespmem:s22+$0x0]  }
0x25b: {  	v4 =	vadd.f32 v7, v4;
	v7 =	vld [tilespmem:s24+$0x0]  }
0x25c: {  	v2 =	vadd.f32 v3, v2;
	v3 =	vld [tilespmem:s28+$0x0]  }
0x25d: {  	v4 =	vadd.f32 v9, v4;
	v9 =	vld [tilespmem:s30+$0x0]  }
0x25e: {  	v1 =	vadd.f32 v8, v1;
	v8 =	vld [tilespmem:s25+$0x0]  }
0x25f: {  	v2 =	vadd.f32 v6, v2;
	v6 =	vld [tilespmem:s16+$0x0]  }
0x260: {  	p0 =	slt.u32 s4, $0x240;
	v1 =	vadd.f32 v5, v1;
	v5 =	vld [tilespmem:s29+$0x0]  }
.Ltmp9:
0x261: {  	v4 =	vadd.f32 v7, v4;
	v7 =	vadd.f32 v3, v2;
	v2 =	vld [tilespmem:s5+$0x0];
	(pc) =	sbr.rel @p0 .LBB2_19-.Ltmp9, $4  }
0x262: {  	v3 =	vld [tilespmem:s14+$0x0]  }
0x263: {  	v9 =	vadd.f32 v9, v4;
	v4 =	vld [tilespmem:s3+$0x0];
	v11 =	vadd.f32 v8, v1  }
0x264: {  	v1 =	vld [tilespmem:s17+$0x0];
	v8 =	vadd.f32 v6, v7  }
0x265: {  	v6 =	vadd.f32 v10, v9;
	v7 =	vadd.f32 v5, v11;
	v5 =	vld [tilespmem:s15+$0x0]  }
0x266: {  	v9 =	vld [tilespmem:s2+$0x0]  }
0x267: {  	v10 =	vld [tilespmem:s8+$0xF000]  }
0x268: {  	v2 =	vadd.f32 v2, v8;
	v63 =	vld [tilespmem:s7+$0xF000]  }
0x269: {  	v1 =	vadd.f32 v1, v7  }
0x26a: {  	v3 =	vadd.f32 v3, v6;
	v2 =	vadd.f32 v4, v2  }
0x26b: {  	v1 =	vadd.f32 v5, v1  }
0x26c: {  	v3 =	vadd.f32 v9, v3;
	v2 =	vadd.f32 v10, v2  }
0x26d: {  	v1 =	vadd.f32 v63, v1  }
0x26e: {  	v3 =	vadd.f32 v0, v3;
	v2 =	vmul.f32 v2, v10  }
0x26f: {  	v1 =	vmul.f32 v1, v63  }
0x270: {  	v0 =	vmul.f32 v3, v0;
	[tilespmem:s8+$0xF280] =	vst v2  }
0x271: {  	s0 =	sadd.s32 $0x40, s19;
	[tilespmem:s7+$0xF280] =	vst v1  }
0x272: {  	s28 =	simm.s32 $0x0;
	[tilespmem:s0+$0x0] =	vst v0  }
0x273: {  	s1 =	simm.s32 $0xF280;
	s30 =	simm.s32 $0x2;
	s29 =	rddreg [dreg:$0x13]  }
0x274: {  	[hbm4b:s29+s28] =	stream.linear.scatter [tilespmem:s1], [sflag:$0x2], $0x280, $0x38;
	[tilespmem:$0x14780] =	vst v63  }
0x275: {  	_ =	swait.ge [sflag:s30], $0x280  }
0x276: {  	[sflag:s30] =	ssyncset.done $0x0  }
0x277: {  	[sflag:s30] =	ssyncadd.s32 $0xFFFFFD80  }
0x278: {  	_ =	sfence.sel $0x180000  }
0x279: {  	[bflag:$0x0] =	sbarrier.arrive $0xFFFF  }
0x27a: {  	_ =	strace $0x90000047  }
0x27b: {  	s31 =	stileid.u32;
	[bflag:$0x2] =	sbarrier.arrive $0xFFFF  }
0x27c: {  	p0 =	sne.s32 s31, $0x0;
	s0 =	rddreg [dreg:$0x4]  }
0x27d: {  	s0 =	sadd.s32 @!p0 $0x100000, s0  }
0x27e: {  	[sflag:s0] =	ssyncadd.tile.s32 @!p0 $0x1;
	_ =	shalt  }
.LBB2_3:
.Ltmp10:
0x27f: {  	(pc) =	sbr.rel .LBB2_8-.Ltmp10, $2  }
0x280: {  	_ =	sdelay $0x2  }
0x281: {  	_ = 	snop  }
.LBB2_13:
.Ltmp11:
0x282: {  	(pc) =	sbr.rel .LBB2_18-.Ltmp11, $2  }
0x283: {  	_ =	sdelay $0x2  }
0x284: {  	_ = 	snop  }
.LBB2_5:
.Ltmp12:
0x285: {  	(pc) =	sbr.rel .LBB2_8-.Ltmp12, $2  }
0x286: {  	_ =	sdelay $0x2  }
0x287: {  	v8 =	vmovc v2;
	v9 =	vmovc v3;
	v5 =	vmov v7;
	v2 =	vmov v6;
	v3 =	vmov v4  }
.LBB2_15:
.Ltmp13:
0x288: {  	(pc) =	sbr.rel .LBB2_18-.Ltmp13, $2  }
0x289: {  	_ =	sdelay $0x2  }
0x28a: {  	v8 =	vmov v0;
	v0 =	vmov v7  }
.Lfunc_end2:
_tile_overlayer_lowered:
.L_overlay_start_2:
0x28b: {  	(tag) =	ssettag $0x2  }
0x28c: {  	s0 =	rddreg [dreg:$0x0];
	s2 =	stileid.u32  }
0x28d: {  	s1 =	rddreg [dreg:$0x1];
	p0 =	sne.s32 s2, $0x0  }
0x28e: {  	s3 =	rddreg [dreg:$0x2];
	[bflag:$0x3] =	sbarrier.arrive $0xFFFF;
	s2 =	simm.s32 @!p0 $0x1C02  }
0x28f: {  	[timem:s3], [sflag:s2] =	dma.local @!p0 [hbm:s0], s1  }
0x290: {  	s0 =	simm.s32 @!p0 $0x2  }
0x291: {  	_ =	swait.ge @!p0 [sflag:s0], s1  }
0x292: {  	s1 =	ssub.s32 @!p0 $0x0, s1;
	[sflag:s0] =	ssyncset.done @!p0 $0x0  }
0x293: {  	[sflag:s0] =	ssyncadd.s32 @!p0 s1  }
0x294: {  	[bflag:$0x3] =	sbarrier.arrive $0xFFFF  }
0x295: {  	_ =	shalt  }

</sc_bundles>
